<compile_context>
chip_gen: v7x
topology: tpu7x:2x2x1
jax: 0.10.2.dev20260603
libtpu: 0.0.44.dev20260713+nightly
codegen_flags: <defaults>
</compile_context>

<pallas_src>
import functools

import numpy as np
import jax
import jax.numpy as jnp
from jax import lax
from jax.experimental import pallas as pl
from jax.experimental.pallas import tpu as pltpu
from jax.experimental.pallas import tpu_sc as plsc

B = 128
NC = 100000
W = 2048
NBLK = (NC + W - 1) // W

_KN0, _KN1 = 1832780943, 270669613
_KC0, _KC1 = 64467757, 2916123636

_TINY = float(np.finfo(np.float32).tiny)
_LO = float(np.nextafter(np.float32(-1.0), np.float32(0.0)))
_SPAN = float(np.float32(1.0) - np.float32(_LO))
_SQRT2 = float(np.float32(np.sqrt(2.0)))
_IMAX = np.int32(2**31 - 1)


def _threefry_bits(p_u32, k0, k1):
    k2 = k0 ^ k1 ^ 0x1BD11BDA
    ks = (k0, k1, k2)
    rots = ((13, 15, 26, 6), (17, 29, 16, 24))
    x0 = jnp.full_like(p_u32, jnp.uint32(k0))
    x1 = p_u32 + jnp.uint32(k1)
    for g in range(5):
        for d in rots[g % 2]:
            x0 = x0 + x1
            x1 = (x1 << jnp.uint32(d)) | (x1 >> jnp.uint32(32 - d))
            x1 = x1 ^ x0
        x0 = x0 + jnp.uint32(ks[(g + 1) % 3])
        x1 = x1 + jnp.uint32((ks[(g + 2) % 3] + g + 1) & 0xFFFFFFFF)
    return x0 ^ x1


def _bits_to_unit(bits):
    fb = (bits >> jnp.uint32(9)) | jnp.uint32(0x3F800000)
    return lax.bitcast_convert_type(fb, jnp.float32) - jnp.float32(1.0)


def _select_kernel(pi_ref, flat_ref, eps_ref, rmax_ref, ridx_ref):
    j = pl.program_id(0)

    @pl.when(j == 0)
    def _init():
        rmax_ref[...] = jnp.full((B, 1), -jnp.inf, jnp.float32)
        ridx_ref[...] = jnp.zeros((B, 1), jnp.int32)

    col = lax.broadcasted_iota(jnp.int32, (B, W), 1) + j * W
    row = lax.broadcasted_iota(jnp.int32, (B, W), 0)
    p = (row * NC + col).astype(jnp.uint32)
    bits = _threefry_bits(p, _KC0, _KC1)
    fl = _bits_to_unit(bits)
    u = jnp.maximum(jnp.float32(_TINY), fl + jnp.float32(_TINY))
    g = -jnp.log(-jnp.log(u))
    score = jnp.log(pi_ref[...] + jnp.float32(1e-12)) + g
    score = jnp.where(col < NC, score, -jnp.inf)

    bmax = jnp.max(score, axis=1, keepdims=True)
    bidx = jnp.min(jnp.where(score == bmax, col, _IMAX), axis=1, keepdims=True)
    better = bmax > rmax_ref[...]
    ridx_ref[...] = jnp.where(better, bidx, ridx_ref[...])
    rmax_ref[...] = jnp.maximum(bmax, rmax_ref[...])

    @pl.when(j == NBLK - 1)
    def _finish():
        idx = ridx_ref[...]
        rowc = lax.broadcasted_iota(jnp.int32, (B, 1), 0)
        flat = rowc * NC + idx
        bitsn = _threefry_bits(flat.astype(jnp.uint32), _KN0, _KN1)
        fln = _bits_to_unit(bitsn)
        un = jnp.maximum(jnp.float32(_LO),
                         fln * jnp.float32(_SPAN) + jnp.float32(_LO))
        eps_ref[...] = jnp.float32(_SQRT2) * lax.erf_inv(un)
        flat_ref[...] = flat


_select = pl.pallas_call(
    _select_kernel,
    grid=(NBLK,),
    in_specs=[pl.BlockSpec((B, W), lambda j: (0, j))],
    out_specs=[pl.BlockSpec((B, 1), lambda j: (0, 0)),
               pl.BlockSpec((B, 1), lambda j: (0, 0))],
    out_shape=[jax.ShapeDtypeStruct((B, 1), jnp.int32),
               jax.ShapeDtypeStruct((B, 1), jnp.float32)],
    scratch_shapes=[pltpu.VMEM((B, 1), jnp.float32),
                    pltpu.VMEM((B, 1), jnp.int32)],
)

_CH = 16
_NW = B // _CH


def _gather_body(mu_hbm, ls_hbm, flat_hbm, eps_hbm, out_hbm,
                 flat_v, mu_v, ls_v, eps_v, out_v, sem_mu, sem_ls):
    wid = lax.axis_index("s") * 2 + lax.axis_index("c")

    @pl.when(wid < _NW)
    def _():
        base = wid * _CH
        pltpu.sync_copy(flat_hbm.at[pl.ds(base, _CH)], flat_v)
        pltpu.sync_copy(eps_hbm.at[pl.ds(base, _CH)], eps_v)
        c_mu = pltpu.async_copy(mu_hbm.at[flat_v], mu_v, sem_mu)
        c_ls = pltpu.async_copy(ls_hbm.at[flat_v], ls_v, sem_ls)
        c_mu.wait()
        c_ls.wait()
        sig = jnp.exp(jnp.clip(ls_v[...], jnp.float32(-40.0),
                               jnp.float32(40.0)))
        out_v[...] = mu_v[...] + sig * eps_v[...]
        pltpu.sync_copy(out_v, out_hbm.at[pl.ds(base, _CH)])


@functools.cache
def _make_gather():
    return functools.partial(
        pl.kernel,
        mesh=plsc.VectorSubcoreMesh(core_axis_name="c", subcore_axis_name="s"),
        out_type=jax.ShapeDtypeStruct((B,), jnp.float32),
        scratch_types=[
            pltpu.VMEM((_CH,), jnp.int32),
            pltpu.VMEM((_CH,), jnp.float32),
            pltpu.VMEM((_CH,), jnp.float32),
            pltpu.VMEM((_CH,), jnp.float32),
            pltpu.VMEM((_CH,), jnp.float32),
            pltpu.SemaphoreType.DMA,
            pltpu.SemaphoreType.DMA,
        ],
    )(_gather_body)


def kernel(pi, mu, log_sig):
    flat, eps = _select(pi)
    sample = _make_gather()(mu.reshape(B * NC), log_sig.reshape(B * NC),
                            flat.reshape(B), eps.reshape(B))
    return sample.reshape(B, 1)

# --- scband reference (transcript-rebuilt; emitter-appended) ---
"""Pipeline reference for scband-response-41747082117515 (READ-ONLY COPY).

The authoritative reference and input builder live on the scoring server;
editing this copy changes nothing except your own understanding.
"""

import jax, jax.numpy as jnp
import numpy as np

B = 128
NC = 100000


def setup_inputs(seed: int = 0) -> dict:
    key = jax.random.key(seed)
    k1, k2, k3 = jax.random.split(key, 3)
    # mixture weights (unnormalized probabilities, as fed to tf.multinomial via K.log(pi))
    pi = jax.random.uniform(k1, (B, NC), dtype=jnp.float32, minval=1e-6, maxval=1.0)
    mu = jax.random.normal(k2, (B, NC), dtype=jnp.float32)
    log_sig = jax.random.normal(k3, (B, NC), dtype=jnp.float32) * 0.1
    return {"pi": pi, "mu": mu, "log_sig": log_sig}


def reference(pi, mu, log_sig):
    # Faithful jax translation of random_gmm(pi, mu, exp(log_sig)):
    #   normals = K.random_normal(shape(mu), mu, sig)    (reparameterized)
    #   k       = one_hot(tf.multinomial(K.log(pi), 1))  (categorical sample)
    #   sample  = K.sum(normals * k, axis=1, keepdims=True)
    key = jax.random.key(42)
    kn, kc = jax.random.split(key)
    sig = jnp.exp(jnp.clip(log_sig, -40.0, 40.0))
    eps = jax.random.normal(kn, mu.shape, dtype=mu.dtype)
    normals = mu + sig * eps
    logits = jnp.log(pi + 1e-12)
    idx = jax.random.categorical(kc, logits, axis=-1)  # [B]
    k = jax.nn.one_hot(idx, pi.shape[1], dtype=mu.dtype)  # [B, NC]
    sample = jnp.sum(normals * k, axis=1, keepdims=True)  # [B, 1]
    return sample

if __name__ == "__main__":
    import jax
    _d = setup_inputs()
    print(jax.jit(kernel)(*tuple(_d.values())))

</pallas_src>

<mosaic_0001>
#map = affine_map<(d0, d1) -> (0)>
module attributes {stable_mosaic.version = 14 : i64} {
  func.func @_gather_body(%arg0: i32, %arg1: i32, %arg2: memref<12800000xf32, #tpu.memory_space<hbm>>, %arg3: memref<12800000xf32, #tpu.memory_space<hbm>>, %arg4: memref<128xi32, #tpu.memory_space<hbm>>, %arg5: memref<128xf32, #tpu.memory_space<hbm>>, %arg6: memref<128xf32, #tpu.memory_space<hbm>>, %arg7: memref<16xi32, #tpu.memory_space<vmem>>, %arg8: memref<16xf32, #tpu.memory_space<vmem>>, %arg9: memref<16xf32, #tpu.memory_space<vmem>>, %arg10: memref<16xf32, #tpu.memory_space<vmem>>, %arg11: memref<16xf32, #tpu.memory_space<vmem>>, %arg12: memref<!tpu.dma_semaphore, #tpu.memory_space<semaphore_mem>>, %arg13: memref<!tpu.dma_semaphore, #tpu.memory_space<semaphore_mem>>) attributes {dimension_semantics = [#tpu.dimension_semantics<core_parallel>, #tpu.dimension_semantics<subcore_parallel>], iteration_bounds = array<i64: 2, 16>, scalar_prefetch = 0 : i64, scratch_operands = 7 : i64, tpu.core_type = #tpu.core_type<sc_vector_subcore>, window_params = [{transform_indices = #map}, {transform_indices = #map}, {transform_indices = #map}, {transform_indices = #map}, {transform_indices = #map}]} {
    %mul3A = arith.constant 2 : i32
    %mul3A_0 = arith.muli %arg1, %mul3A : i32
    %add3A = arith.addi %mul3A_0, %arg0 : i32
    %lt3A = arith.constant 8 : i32
    %lt3A_1 = arith.cmpi slt, %add3A, %lt3A : i32
    %convert_element_type3A = arith.extui %lt3A_1 : i1 to i32
    %cond3A = arith.constant 0 : i32
    %cond3A_2 = arith.cmpi ne, %convert_element_type3A, %cond3A : i32
    scf.if %cond3A_2 {
      %mul3A_3 = arith.constant 16 : i32
      %mul3A_4 = arith.muli %add3A, %mul3A_3 : i32
      "tpu.region"() ({
        %run_scoped3A = tpu.sem_alloc : memref<!tpu.dma_semaphore, #tpu.memory_space<semaphore_mem>>
        %dma_start3A_27 = tpu.memref_slice %arg4[%mul3A_4] : memref<128xi32, #tpu.memory_space<hbm>> -> memref<16xi32, #tpu.memory_space<hbm>>
        %dma_start3A_28 = tpu.memref_slice %arg4[%mul3A_4] : memref<128xi32, #tpu.memory_space<hbm>> -> memref<16xi32, #tpu.memory_space<hbm>>
        tpu.enqueue_dma source(%dma_start3A_28 : memref<16xi32, #tpu.memory_space<hbm>>) target(%arg7 : memref<16xi32, #tpu.memory_space<vmem>>) target_semaphore(%run_scoped3A : memref<!tpu.dma_semaphore, #tpu.memory_space<semaphore_mem>>)
        %dma_wait3A_29 = tpu.memref_slice %arg4[%mul3A_4] : memref<128xi32, #tpu.memory_space<hbm>> -> memref<16xi32, #tpu.memory_space<hbm>>
        %dma_wait3A_30 = tpu.memref_slice %arg4[%mul3A_4] : memref<128xi32, #tpu.memory_space<hbm>> -> memref<16xi32, #tpu.memory_space<hbm>>
        tpu.wait_dma2 semaphore(%run_scoped3A : memref<!tpu.dma_semaphore, #tpu.memory_space<semaphore_mem>>) src(%dma_wait3A_30 : memref<16xi32, #tpu.memory_space<hbm>>) dst(%arg7 : memref<16xi32, #tpu.memory_space<vmem>>)
        tpu.yield
      }) : () -> ()
      "tpu.region"() ({
        %run_scoped3A = tpu.sem_alloc : memref<!tpu.dma_semaphore, #tpu.memory_space<semaphore_mem>>
        %dma_start3A_27 = tpu.memref_slice %arg5[%mul3A_4] : memref<128xf32, #tpu.memory_space<hbm>> -> memref<16xf32, #tpu.memory_space<hbm>>
        %dma_start3A_28 = tpu.memref_slice %arg5[%mul3A_4] : memref<128xf32, #tpu.memory_space<hbm>> -> memref<16xf32, #tpu.memory_space<hbm>>
        tpu.enqueue_dma source(%dma_start3A_28 : memref<16xf32, #tpu.memory_space<hbm>>) target(%arg10 : memref<16xf32, #tpu.memory_space<vmem>>) target_semaphore(%run_scoped3A : memref<!tpu.dma_semaphore, #tpu.memory_space<semaphore_mem>>)
        %dma_wait3A_29 = tpu.memref_slice %arg5[%mul3A_4] : memref<128xf32, #tpu.memory_space<hbm>> -> memref<16xf32, #tpu.memory_space<hbm>>
        %dma_wait3A_30 = tpu.memref_slice %arg5[%mul3A_4] : memref<128xf32, #tpu.memory_space<hbm>> -> memref<16xf32, #tpu.memory_space<hbm>>
        tpu.wait_dma2 semaphore(%run_scoped3A : memref<!tpu.dma_semaphore, #tpu.memory_space<semaphore_mem>>) src(%dma_wait3A_30 : memref<16xf32, #tpu.memory_space<hbm>>) dst(%arg10 : memref<16xf32, #tpu.memory_space<vmem>>)
        tpu.yield
      }) : () -> ()
      %dma_start3A = arith.constant 0 : i32
      %dma_start3A_5 = tpu.memref_slice %arg2[%dma_start3A] : memref<12800000xf32, #tpu.memory_space<hbm>> -> memref<12800000xf32, #tpu.memory_space<hbm>>
      tpu.enqueue_indirect_dma source(%dma_start3A_5 : memref<12800000xf32, #tpu.memory_space<hbm>>) target(%arg8 : memref<16xf32, #tpu.memory_space<vmem>>) offsets(%arg7 : memref<16xi32, #tpu.memory_space<vmem>>) semaphore(%arg12 : memref<!tpu.dma_semaphore, #tpu.memory_space<semaphore_mem>>)
      %dma_start3A_6 = arith.constant 0 : i32
      %dma_start3A_7 = tpu.memref_slice %arg3[%dma_start3A_6] : memref<12800000xf32, #tpu.memory_space<hbm>> -> memref<12800000xf32, #tpu.memory_space<hbm>>
      tpu.enqueue_indirect_dma source(%dma_start3A_7 : memref<12800000xf32, #tpu.memory_space<hbm>>) target(%arg9 : memref<16xf32, #tpu.memory_space<vmem>>) offsets(%arg7 : memref<16xi32, #tpu.memory_space<vmem>>) semaphore(%arg13 : memref<!tpu.dma_semaphore, #tpu.memory_space<semaphore_mem>>)
      %dma_wait3A = arith.constant 0 : i32
      %dma_wait3A_8 = tpu.memref_slice %arg2[%dma_wait3A] : memref<12800000xf32, #tpu.memory_space<hbm>> -> memref<12800000xf32, #tpu.memory_space<hbm>>
      tpu.wait_indirect_dma semaphore(%arg12 : memref<!tpu.dma_semaphore, #tpu.memory_space<semaphore_mem>>) src(%dma_wait3A_8 : memref<12800000xf32, #tpu.memory_space<hbm>>) dst(%arg8 : memref<16xf32, #tpu.memory_space<vmem>>)
      %dma_wait3A_9 = arith.constant 0 : i32
      %dma_wait3A_10 = tpu.memref_slice %arg3[%dma_wait3A_9] : memref<12800000xf32, #tpu.memory_space<hbm>> -> memref<12800000xf32, #tpu.memory_space<hbm>>
      tpu.wait_indirect_dma semaphore(%arg13 : memref<!tpu.dma_semaphore, #tpu.memory_space<semaphore_mem>>) src(%dma_wait3A_10 : memref<12800000xf32, #tpu.memory_space<hbm>>) dst(%arg9 : memref<16xf32, #tpu.memory_space<vmem>>)
      %get3A = arith.constant 0 : index
      %get3A_11 = tpu.vector_load %arg9[%get3A] {strides = array<i32>} : memref<16xf32, #tpu.memory_space<vmem>>, vector<16xf32>,
      %get3A_12 = vector.shape_cast %get3A_11 : vector<16xf32> to vector<16xf32>
      %jit3A = arith.constant -4.000000e+01 : f32
      %jit3A_13 = arith.constant 4.000000e+01 : f32
      %max3A = vector.broadcast %jit3A : f32 to vector<16xf32>
      %max3A_14 = arith.maximumf %max3A, %get3A_12 : vector<16xf32>
      %min3A = vector.broadcast %jit3A_13 : f32 to vector<16xf32>
      %min3A_15 = arith.minimumf %min3A, %max3A_14 : vector<16xf32>
      %exp3A = math.exp %min3A_15 : vector<16xf32>
      %get3A_16 = arith.constant 0 : index
      %get3A_17 = tpu.vector_load %arg8[%get3A_16] {strides = array<i32>} : memref<16xf32, #tpu.memory_space<vmem>>, vector<16xf32>,
      %get3A_18 = vector.shape_cast %get3A_17 : vector<16xf32> to vector<16xf32>
      %get3A_19 = arith.constant 0 : index
      %get3A_20 = tpu.vector_load %arg10[%get3A_19] {strides = array<i32>} : memref<16xf32, #tpu.memory_space<vmem>>, vector<16xf32>,
      %get3A_21 = vector.shape_cast %get3A_20 : vector<16xf32> to vector<16xf32>
      %mul3A_22 = arith.mulf %exp3A, %get3A_21 : vector<16xf32>
      %add3A_23 = arith.addf %get3A_18, %mul3A_22 : vector<16xf32>
      %swap3A = arith.constant 0 : index
      %swap3A_24 = tpu.vector_load %arg11[%swap3A] {strides = array<i32>} : memref<16xf32, #tpu.memory_space<vmem>>, vector<16xf32>,
      %swap3A_25 = vector.shape_cast %swap3A_24 : vector<16xf32> to vector<16xf32>
      %swap3A_26 = vector.shape_cast %add3A_23 : vector<16xf32> to vector<16xf32>
      tpu.vector_store %arg11[%swap3A], %swap3A_26 {strides = array<i32>} : memref<16xf32, #tpu.memory_space<vmem>>, vector<16xf32>,
      "tpu.region"() ({
        %run_scoped3A = tpu.sem_alloc : memref<!tpu.dma_semaphore, #tpu.memory_space<semaphore_mem>>
        %dma_start3A_27 = tpu.memref_slice %arg6[%mul3A_4] : memref<128xf32, #tpu.memory_space<hbm>> -> memref<16xf32, #tpu.memory_space<hbm>>
        %dma_start3A_28 = tpu.memref_slice %arg6[%mul3A_4] : memref<128xf32, #tpu.memory_space<hbm>> -> memref<16xf32, #tpu.memory_space<hbm>>
        tpu.enqueue_dma source(%arg11 : memref<16xf32, #tpu.memory_space<vmem>>) target(%dma_start3A_28 : memref<16xf32, #tpu.memory_space<hbm>>) target_semaphore(%run_scoped3A : memref<!tpu.dma_semaphore, #tpu.memory_space<semaphore_mem>>)
        %dma_wait3A_29 = tpu.memref_slice %arg6[%mul3A_4] : memref<128xf32, #tpu.memory_space<hbm>> -> memref<16xf32, #tpu.memory_space<hbm>>
        %dma_wait3A_30 = tpu.memref_slice %arg6[%mul3A_4] : memref<128xf32, #tpu.memory_space<hbm>> -> memref<16xf32, #tpu.memory_space<hbm>>
        tpu.wait_dma2 semaphore(%run_scoped3A : memref<!tpu.dma_semaphore, #tpu.memory_space<semaphore_mem>>) src(%arg11 : memref<16xf32, #tpu.memory_space<vmem>>) dst(%dma_wait3A_30 : memref<16xf32, #tpu.memory_space<hbm>>)
        tpu.yield
      }) : () -> ()
    } else {
    }
    return
  }
}

module attributes {stable_mosaic.version = 14 : i64} {
  func.func @_select_kernel(%arg0: i32, %arg1: memref<128x2048xf32, #tpu.memory_space<vmem>>, %arg2: memref<128x1xi32, #tpu.memory_space<vmem>>, %arg3: memref<128x1xf32, #tpu.memory_space<vmem>>, %arg4: memref<128x1xf32, #tpu.memory_space<vmem>>, %arg5: memref<128x1xi32, #tpu.memory_space<vmem>>) attributes {dimension_semantics = [#tpu.dimension_semantics<arbitrary>], iteration_bounds = array<i64: 49>, scalar_prefetch = 0 : i64, scratch_operands = 2 : i64, tpu.core_type = #tpu.core_type<tc>, window_params = [{transform_indices = @transform_0, window_bounds = array<i64: 128, 2048>}, {pipeline_mode = #tpu.pipeline_mode<synchronous>, transform_indices = @transform_1, window_bounds = array<i64: 128, 1>}, {pipeline_mode = #tpu.pipeline_mode<synchronous>, transform_indices = @transform_2, window_bounds = array<i64: 128, 1>}]} {
    %eq3A = arith.constant 0 : i32
    %eq3A_0 = arith.cmpi eq, %arg0, %eq3A : i32
    %convert_element_type3A = arith.extui %eq3A_0 : i1 to i32
    %cond3A = arith.constant 0 : i32
    %cond3A_1 = arith.cmpi ne, %convert_element_type3A, %cond3A : i32
    scf.if %cond3A_1 {
      %broadcast_in_dim3A_279 = arith.constant 0xFF800000 : f32
      %broadcast_in_dim3A_280 = vector.broadcast %broadcast_in_dim3A_279 : f32 to vector<128x1xf32>
      %swap3A_281 = arith.constant 0 : index
      %swap3A_282 = arith.constant 0 : index
      %swap3A_283 = vector.load %arg4[%swap3A_281, %swap3A_282] : memref<128x1xf32, #tpu.memory_space<vmem>>, vector<128x1xf32>
      tpu.vector_store %arg4[%swap3A_281, %swap3A_282], %broadcast_in_dim3A_280 {strides = array<i32>} : memref<128x1xf32, #tpu.memory_space<vmem>>, vector<128x1xf32>,
      %broadcast_in_dim3A_284 = arith.constant 0 : i32
      %broadcast_in_dim3A_285 = vector.broadcast %broadcast_in_dim3A_284 : i32 to vector<128x1xi32>
      %swap3A_286 = arith.constant 0 : index
      %swap3A_287 = arith.constant 0 : index
      %swap3A_288 = vector.load %arg5[%swap3A_286, %swap3A_287] : memref<128x1xi32, #tpu.memory_space<vmem>>, vector<128x1xi32>
      tpu.vector_store %arg5[%swap3A_286, %swap3A_287], %broadcast_in_dim3A_285 {strides = array<i32>} : memref<128x1xi32, #tpu.memory_space<vmem>>, vector<128x1xi32>,
    } else {
    }
    %iota3A = tpu.iota {dimensions = array<i32: 1>} : vector<128x2048xi32>
    %mul3A = arith.constant 2048 : i32
    %mul3A_2 = arith.muli %arg0, %mul3A : i32
    %add3A = vector.broadcast %mul3A_2 : i32 to vector<128x2048xi32>
    %add3A_3 = arith.addi %iota3A, %add3A : vector<128x2048xi32>
    %iota3A_4 = tpu.iota {dimensions = array<i32: 0>} : vector<128x2048xi32>
    %mul3A_5 = arith.constant 100000 : i32
    %mul3A_6 = vector.broadcast %mul3A_5 : i32 to vector<128x2048xi32>
    %mul3A_7 = arith.muli %iota3A_4, %mul3A_6 : vector<128x2048xi32>
    %add3A_8 = arith.addi %mul3A_7, %add3A_3 : vector<128x2048xi32>
    %broadcast_in_dim3A = arith.constant 64467757 : i32
    %broadcast_in_dim3A_9 = vector.broadcast %broadcast_in_dim3A : i32 to vector<128x2048xi32>
    %add3A_10 = arith.constant -1378843660 : i32
    %add3A_11 = vector.broadcast %add3A_10 : i32 to vector<128x2048xi32>
    %add3A_12 = arith.addi %add3A_8, %add3A_11 : vector<128x2048xi32>
    %add3A_13 = arith.addi %broadcast_in_dim3A_9, %add3A_12 : vector<128x2048xi32>
    %shift_left3A = arith.constant 13 : i32
    %shift_left3A_14 = vector.broadcast %shift_left3A : i32 to vector<128x2048xi32>
    %shift_left3A_15 = arith.shli %add3A_12, %shift_left3A_14 : vector<128x2048xi32>
    %shift_right_logical3A = arith.constant 19 : i32
    %shift_right_logical3A_16 = vector.broadcast %shift_right_logical3A : i32 to vector<128x2048xi32>
    %shift_right_logical3A_17 = arith.shrui %add3A_12, %shift_right_logical3A_16 : vector<128x2048xi32>
    %or3A = arith.ori %shift_left3A_15, %shift_right_logical3A_17 : vector<128x2048xi32>
    %xor3A = arith.xori %or3A, %add3A_13 : vector<128x2048xi32>
    %add3A_18 = arith.addi %add3A_13, %xor3A : vector<128x2048xi32>
    %shift_left3A_19 = arith.constant 15 : i32
    %shift_left3A_20 = vector.broadcast %shift_left3A_19 : i32 to vector<128x2048xi32>
    %shift_left3A_21 = arith.shli %xor3A, %shift_left3A_20 : vector<128x2048xi32>
    %shift_right_logical3A_22 = arith.constant 17 : i32
    %shift_right_logical3A_23 = vector.broadcast %shift_right_logical3A_22 : i32 to vector<128x2048xi32>
    %shift_right_logical3A_24 = arith.shrui %xor3A, %shift_right_logical3A_23 : vector<128x2048xi32>
    %or3A_25 = arith.ori %shift_left3A_21, %shift_right_logical3A_24 : vector<128x2048xi32>
    %xor3A_26 = arith.xori %or3A_25, %add3A_18 : vector<128x2048xi32>
    %add3A_27 = arith.addi %add3A_18, %xor3A_26 : vector<128x2048xi32>
    %shift_left3A_28 = arith.constant 26 : i32
    %shift_left3A_29 = vector.broadcast %shift_left3A_28 : i32 to vector<128x2048xi32>
    %shift_left3A_30 = arith.shli %xor3A_26, %shift_left3A_29 : vector<128x2048xi32>
    %shift_right_logical3A_31 = arith.constant 6 : i32
    %shift_right_logical3A_32 = vector.broadcast %shift_right_logical3A_31 : i32 to vector<128x2048xi32>
    %shift_right_logical3A_33 = arith.shrui %xor3A_26, %shift_right_logical3A_32 : vector<128x2048xi32>
    %or3A_34 = arith.ori %shift_left3A_30, %shift_right_logical3A_33 : vector<128x2048xi32>
    %xor3A_35 = arith.xori %or3A_34, %add3A_27 : vector<128x2048xi32>
    %add3A_36 = arith.addi %add3A_27, %xor3A_35 : vector<128x2048xi32>
    %shift_left3A_37 = arith.constant 6 : i32
    %shift_left3A_38 = vector.broadcast %shift_left3A_37 : i32 to vector<128x2048xi32>
    %shift_left3A_39 = arith.shli %xor3A_35, %shift_left3A_38 : vector<128x2048xi32>
    %shift_right_logical3A_40 = arith.constant 26 : i32
    %shift_right_logical3A_41 = vector.broadcast %shift_right_logical3A_40 : i32 to vector<128x2048xi32>
    %shift_right_logical3A_42 = arith.shrui %xor3A_35, %shift_right_logical3A_41 : vector<128x2048xi32>
    %or3A_43 = arith.ori %shift_left3A_39, %shift_right_logical3A_42 : vector<128x2048xi32>
    %xor3A_44 = arith.xori %or3A_43, %add3A_36 : vector<128x2048xi32>
    %add3A_45 = arith.constant -1378843660 : i32
    %add3A_46 = vector.broadcast %add3A_45 : i32 to vector<128x2048xi32>
    %add3A_47 = arith.addi %add3A_36, %add3A_46 : vector<128x2048xi32>
    %add3A_48 = arith.constant -1244255484 : i32
    %add3A_49 = vector.broadcast %add3A_48 : i32 to vector<128x2048xi32>
    %add3A_50 = arith.addi %xor3A_44, %add3A_49 : vector<128x2048xi32>
    %add3A_51 = arith.addi %add3A_47, %add3A_50 : vector<128x2048xi32>
    %shift_left3A_52 = arith.constant 17 : i32
    %shift_left3A_53 = vector.broadcast %shift_left3A_52 : i32 to vector<128x2048xi32>
    %shift_left3A_54 = arith.shli %add3A_50, %shift_left3A_53 : vector<128x2048xi32>
    %shift_right_logical3A_55 = arith.constant 15 : i32
    %shift_right_logical3A_56 = vector.broadcast %shift_right_logical3A_55 : i32 to vector<128x2048xi32>
    %shift_right_logical3A_57 = arith.shrui %add3A_50, %shift_right_logical3A_56 : vector<128x2048xi32>
    %or3A_58 = arith.ori %shift_left3A_54, %shift_right_logical3A_57 : vector<128x2048xi32>
    %xor3A_59 = arith.xori %or3A_58, %add3A_51 : vector<128x2048xi32>
    %add3A_60 = arith.addi %add3A_51, %xor3A_59 : vector<128x2048xi32>
    %shift_left3A_61 = arith.constant 29 : i32
    %shift_left3A_62 = vector.broadcast %shift_left3A_61 : i32 to vector<128x2048xi32>
    %shift_left3A_63 = arith.shli %xor3A_59, %shift_left3A_62 : vector<128x2048xi32>
    %shift_right_logical3A_64 = arith.constant 3 : i32
    %shift_right_logical3A_65 = vector.broadcast %shift_right_logical3A_64 : i32 to vector<128x2048xi32>
    %shift_right_logical3A_66 = arith.shrui %xor3A_59, %shift_right_logical3A_65 : vector<128x2048xi32>
    %or3A_67 = arith.ori %shift_left3A_63, %shift_right_logical3A_66 : vector<128x2048xi32>
    %xor3A_68 = arith.xori %or3A_67, %add3A_60 : vector<128x2048xi32>
    %add3A_69 = arith.addi %add3A_60, %xor3A_68 : vector<128x2048xi32>
    %shift_left3A_70 = arith.constant 16 : i32
    %shift_left3A_71 = vector.broadcast %shift_left3A_70 : i32 to vector<128x2048xi32>
    %shift_left3A_72 = arith.shli %xor3A_68, %shift_left3A_71 : vector<128x2048xi32>
    %shift_right_logical3A_73 = arith.constant 16 : i32
    %shift_right_logical3A_74 = vector.broadcast %shift_right_logical3A_73 : i32 to vector<128x2048xi32>
    %shift_right_logical3A_75 = arith.shrui %xor3A_68, %shift_right_logical3A_74 : vector<128x2048xi32>
    %or3A_76 = arith.ori %shift_left3A_72, %shift_right_logical3A_75 : vector<128x2048xi32>
    %xor3A_77 = arith.xori %or3A_76, %add3A_69 : vector<128x2048xi32>
    %add3A_78 = arith.addi %add3A_69, %xor3A_77 : vector<128x2048xi32>
    %shift_left3A_79 = arith.constant 24 : i32
    %shift_left3A_80 = vector.broadcast %shift_left3A_79 : i32 to vector<128x2048xi32>
    %shift_left3A_81 = arith.shli %xor3A_77, %shift_left3A_80 : vector<128x2048xi32>
    %shift_right_logical3A_82 = arith.constant 8 : i32
    %shift_right_logical3A_83 = vector.broadcast %shift_right_logical3A_82 : i32 to vector<128x2048xi32>
    %shift_right_logical3A_84 = arith.shrui %xor3A_77, %shift_right_logical3A_83 : vector<128x2048xi32>
    %or3A_85 = arith.ori %shift_left3A_81, %shift_right_logical3A_84 : vector<128x2048xi32>
    %xor3A_86 = arith.xori %or3A_85, %add3A_78 : vector<128x2048xi32>
    %add3A_87 = arith.constant -1244255485 : i32
    %add3A_88 = vector.broadcast %add3A_87 : i32 to vector<128x2048xi32>
    %add3A_89 = arith.addi %add3A_78, %add3A_88 : vector<128x2048xi32>
    %add3A_90 = arith.constant 64467759 : i32
    %add3A_91 = vector.broadcast %add3A_90 : i32 to vector<128x2048xi32>
    %add3A_92 = arith.addi %xor3A_86, %add3A_91 : vector<128x2048xi32>
    %add3A_93 = arith.addi %add3A_89, %add3A_92 : vector<128x2048xi32>
    %shift_left3A_94 = arith.constant 13 : i32
    %shift_left3A_95 = vector.broadcast %shift_left3A_94 : i32 to vector<128x2048xi32>
    %shift_left3A_96 = arith.shli %add3A_92, %shift_left3A_95 : vector<128x2048xi32>
    %shift_right_logical3A_97 = arith.constant 19 : i32
    %shift_right_logical3A_98 = vector.broadcast %shift_right_logical3A_97 : i32 to vector<128x2048xi32>
    %shift_right_logical3A_99 = arith.shrui %add3A_92, %shift_right_logical3A_98 : vector<128x2048xi32>
    %or3A_100 = arith.ori %shift_left3A_96, %shift_right_logical3A_99 : vector<128x2048xi32>
    %xor3A_101 = arith.xori %or3A_100, %add3A_93 : vector<128x2048xi32>
    %add3A_102 = arith.addi %add3A_93, %xor3A_101 : vector<128x2048xi32>
    %shift_left3A_103 = arith.constant 15 : i32
    %shift_left3A_104 = vector.broadcast %shift_left3A_103 : i32 to vector<128x2048xi32>
    %shift_left3A_105 = arith.shli %xor3A_101, %shift_left3A_104 : vector<128x2048xi32>
    %shift_right_logical3A_106 = arith.constant 17 : i32
    %shift_right_logical3A_107 = vector.broadcast %shift_right_logical3A_106 : i32 to vector<128x2048xi32>
    %shift_right_logical3A_108 = arith.shrui %xor3A_101, %shift_right_logical3A_107 : vector<128x2048xi32>
    %or3A_109 = arith.ori %shift_left3A_105, %shift_right_logical3A_108 : vector<128x2048xi32>
    %xor3A_110 = arith.xori %or3A_109, %add3A_102 : vector<128x2048xi32>
    %add3A_111 = arith.addi %add3A_102, %xor3A_110 : vector<128x2048xi32>
    %shift_left3A_112 = arith.constant 26 : i32
    %shift_left3A_113 = vector.broadcast %shift_left3A_112 : i32 to vector<128x2048xi32>
    %shift_left3A_114 = arith.shli %xor3A_110, %shift_left3A_113 : vector<128x2048xi32>
    %shift_right_logical3A_115 = arith.constant 6 : i32
    %shift_right_logical3A_116 = vector.broadcast %shift_right_logical3A_115 : i32 to vector<128x2048xi32>
    %shift_right_logical3A_117 = arith.shrui %xor3A_110, %shift_right_logical3A_116 : vector<128x2048xi32>
    %or3A_118 = arith.ori %shift_left3A_114, %shift_right_logical3A_117 : vector<128x2048xi32>
    %xor3A_119 = arith.xori %or3A_118, %add3A_111 : vector<128x2048xi32>
    %add3A_120 = arith.addi %add3A_111, %xor3A_119 : vector<128x2048xi32>
    %shift_left3A_121 = arith.constant 6 : i32
    %shift_left3A_122 = vector.broadcast %shift_left3A_121 : i32 to vector<128x2048xi32>
    %shift_left3A_123 = arith.shli %xor3A_119, %shift_left3A_122 : vector<128x2048xi32>
    %shift_right_logical3A_124 = arith.constant 26 : i32
    %shift_right_logical3A_125 = vector.broadcast %shift_right_logical3A_124 : i32 to vector<128x2048xi32>
    %shift_right_logical3A_126 = arith.shrui %xor3A_119, %shift_right_logical3A_125 : vector<128x2048xi32>
    %or3A_127 = arith.ori %shift_left3A_123, %shift_right_logical3A_126 : vector<128x2048xi32>
    %xor3A_128 = arith.xori %or3A_127, %add3A_120 : vector<128x2048xi32>
    %add3A_129 = arith.constant 64467757 : i32
    %add3A_130 = vector.broadcast %add3A_129 : i32 to vector<128x2048xi32>
    %add3A_131 = arith.addi %add3A_120, %add3A_130 : vector<128x2048xi32>
    %add3A_132 = arith.constant -1378843657 : i32
    %add3A_133 = vector.broadcast %add3A_132 : i32 to vector<128x2048xi32>
    %add3A_134 = arith.addi %xor3A_128, %add3A_133 : vector<128x2048xi32>
    %add3A_135 = arith.addi %add3A_131, %add3A_134 : vector<128x2048xi32>
    %shift_left3A_136 = arith.constant 17 : i32
    %shift_left3A_137 = vector.broadcast %shift_left3A_136 : i32 to vector<128x2048xi32>
    %shift_left3A_138 = arith.shli %add3A_134, %shift_left3A_137 : vector<128x2048xi32>
    %shift_right_logical3A_139 = arith.constant 15 : i32
    %shift_right_logical3A_140 = vector.broadcast %shift_right_logical3A_139 : i32 to vector<128x2048xi32>
    %shift_right_logical3A_141 = arith.shrui %add3A_134, %shift_right_logical3A_140 : vector<128x2048xi32>
    %or3A_142 = arith.ori %shift_left3A_138, %shift_right_logical3A_141 : vector<128x2048xi32>
    %xor3A_143 = arith.xori %or3A_142, %add3A_135 : vector<128x2048xi32>
    %add3A_144 = arith.addi %add3A_135, %xor3A_143 : vector<128x2048xi32>
    %shift_left3A_145 = arith.constant 29 : i32
    %shift_left3A_146 = vector.broadcast %shift_left3A_145 : i32 to vector<128x2048xi32>
    %shift_left3A_147 = arith.shli %xor3A_143, %shift_left3A_146 : vector<128x2048xi32>
    %shift_right_logical3A_148 = arith.constant 3 : i32
    %shift_right_logical3A_149 = vector.broadcast %shift_right_logical3A_148 : i32 to vector<128x2048xi32>
    %shift_right_logical3A_150 = arith.shrui %xor3A_143, %shift_right_logical3A_149 : vector<128x2048xi32>
    %or3A_151 = arith.ori %shift_left3A_147, %shift_right_logical3A_150 : vector<128x2048xi32>
    %xor3A_152 = arith.xori %or3A_151, %add3A_144 : vector<128x2048xi32>
    %add3A_153 = arith.addi %add3A_144, %xor3A_152 : vector<128x2048xi32>
    %shift_left3A_154 = arith.constant 16 : i32
    %shift_left3A_155 = vector.broadcast %shift_left3A_154 : i32 to vector<128x2048xi32>
    %shift_left3A_156 = arith.shli %xor3A_152, %shift_left3A_155 : vector<128x2048xi32>
    %shift_right_logical3A_157 = arith.constant 16 : i32
    %shift_right_logical3A_158 = vector.broadcast %shift_right_logical3A_157 : i32 to vector<128x2048xi32>
    %shift_right_logical3A_159 = arith.shrui %xor3A_152, %shift_right_logical3A_158 : vector<128x2048xi32>
    %or3A_160 = arith.ori %shift_left3A_156, %shift_right_logical3A_159 : vector<128x2048xi32>
    %xor3A_161 = arith.xori %or3A_160, %add3A_153 : vector<128x2048xi32>
    %add3A_162 = arith.addi %add3A_153, %xor3A_161 : vector<128x2048xi32>
    %shift_left3A_163 = arith.constant 24 : i32
    %shift_left3A_164 = vector.broadcast %shift_left3A_163 : i32 to vector<128x2048xi32>
    %shift_left3A_165 = arith.shli %xor3A_161, %shift_left3A_164 : vector<128x2048xi32>
    %shift_right_logical3A_166 = arith.constant 8 : i32
    %shift_right_logical3A_167 = vector.broadcast %shift_right_logical3A_166 : i32 to vector<128x2048xi32>
    %shift_right_logical3A_168 = arith.shrui %xor3A_161, %shift_right_logical3A_167 : vector<128x2048xi32>
    %or3A_169 = arith.ori %shift_left3A_165, %shift_right_logical3A_168 : vector<128x2048xi32>
    %xor3A_170 = arith.xori %or3A_169, %add3A_162 : vector<128x2048xi32>
    %add3A_171 = arith.constant -1378843660 : i32
    %add3A_172 = vector.broadcast %add3A_171 : i32 to vector<128x2048xi32>
    %add3A_173 = arith.addi %add3A_162, %add3A_172 : vector<128x2048xi32>
    %add3A_174 = arith.constant -1244255481 : i32
    %add3A_175 = vector.broadcast %add3A_174 : i32 to vector<128x2048xi32>
    %add3A_176 = arith.addi %xor3A_170, %add3A_175 : vector<128x2048xi32>
    %add3A_177 = arith.addi %add3A_173, %add3A_176 : vector<128x2048xi32>
    %shift_left3A_178 = arith.constant 13 : i32
    %shift_left3A_179 = vector.broadcast %shift_left3A_178 : i32 to vector<128x2048xi32>
    %shift_left3A_180 = arith.shli %add3A_176, %shift_left3A_179 : vector<128x2048xi32>
    %shift_right_logical3A_181 = arith.constant 19 : i32
    %shift_right_logical3A_182 = vector.broadcast %shift_right_logical3A_181 : i32 to vector<128x2048xi32>
    %shift_right_logical3A_183 = arith.shrui %add3A_176, %shift_right_logical3A_182 : vector<128x2048xi32>
    %or3A_184 = arith.ori %shift_left3A_180, %shift_right_logical3A_183 : vector<128x2048xi32>
    %xor3A_185 = arith.xori %or3A_184, %add3A_177 : vector<128x2048xi32>
    %add3A_186 = arith.addi %add3A_177, %xor3A_185 : vector<128x2048xi32>
    %shift_left3A_187 = arith.constant 15 : i32
    %shift_left3A_188 = vector.broadcast %shift_left3A_187 : i32 to vector<128x2048xi32>
    %shift_left3A_189 = arith.shli %xor3A_185, %shift_left3A_188 : vector<128x2048xi32>
    %shift_right_logical3A_190 = arith.constant 17 : i32
    %shift_right_logical3A_191 = vector.broadcast %shift_right_logical3A_190 : i32 to vector<128x2048xi32>
    %shift_right_logical3A_192 = arith.shrui %xor3A_185, %shift_right_logical3A_191 : vector<128x2048xi32>
    %or3A_193 = arith.ori %shift_left3A_189, %shift_right_logical3A_192 : vector<128x2048xi32>
    %xor3A_194 = arith.xori %or3A_193, %add3A_186 : vector<128x2048xi32>
    %add3A_195 = arith.addi %add3A_186, %xor3A_194 : vector<128x2048xi32>
    %shift_left3A_196 = arith.constant 26 : i32
    %shift_left3A_197 = vector.broadcast %shift_left3A_196 : i32 to vector<128x2048xi32>
    %shift_left3A_198 = arith.shli %xor3A_194, %shift_left3A_197 : vector<128x2048xi32>
    %shift_right_logical3A_199 = arith.constant 6 : i32
    %shift_right_logical3A_200 = vector.broadcast %shift_right_logical3A_199 : i32 to vector<128x2048xi32>
    %shift_right_logical3A_201 = arith.shrui %xor3A_194, %shift_right_logical3A_200 : vector<128x2048xi32>
    %or3A_202 = arith.ori %shift_left3A_198, %shift_right_logical3A_201 : vector<128x2048xi32>
    %xor3A_203 = arith.xori %or3A_202, %add3A_195 : vector<128x2048xi32>
    %add3A_204 = arith.addi %add3A_195, %xor3A_203 : vector<128x2048xi32>
    %shift_left3A_205 = arith.constant 6 : i32
    %shift_left3A_206 = vector.broadcast %shift_left3A_205 : i32 to vector<128x2048xi32>
    %shift_left3A_207 = arith.shli %xor3A_203, %shift_left3A_206 : vector<128x2048xi32>
    %shift_right_logical3A_208 = arith.constant 26 : i32
    %shift_right_logical3A_209 = vector.broadcast %shift_right_logical3A_208 : i32 to vector<128x2048xi32>
    %shift_right_logical3A_210 = arith.shrui %xor3A_203, %shift_right_logical3A_209 : vector<128x2048xi32>
    %or3A_211 = arith.ori %shift_left3A_207, %shift_right_logical3A_210 : vector<128x2048xi32>
    %xor3A_212 = arith.xori %or3A_211, %add3A_204 : vector<128x2048xi32>
    %add3A_213 = arith.constant -1244255485 : i32
    %add3A_214 = vector.broadcast %add3A_213 : i32 to vector<128x2048xi32>
    %add3A_215 = arith.addi %add3A_204, %add3A_214 : vector<128x2048xi32>
    %add3A_216 = arith.constant 64467762 : i32
    %add3A_217 = vector.broadcast %add3A_216 : i32 to vector<128x2048xi32>
    %add3A_218 = arith.addi %xor3A_212, %add3A_217 : vector<128x2048xi32>
    %xor3A_219 = arith.xori %add3A_215, %add3A_218 : vector<128x2048xi32>
    %shift_right_logical3A_220 = arith.constant 9 : i32
    %shift_right_logical3A_221 = vector.broadcast %shift_right_logical3A_220 : i32 to vector<128x2048xi32>
    %shift_right_logical3A_222 = arith.shrui %xor3A_219, %shift_right_logical3A_221 : vector<128x2048xi32>
    %or3A_223 = arith.constant 1065353216 : i32
    %or3A_224 = vector.broadcast %or3A_223 : i32 to vector<128x2048xi32>
    %or3A_225 = arith.ori %shift_right_logical3A_222, %or3A_224 : vector<128x2048xi32>
    %bitcast_convert_type3A = tpu.bitcast %or3A_225 : vector<128x2048xi32> -> vector<128x2048xf32>
    %sub3A = arith.constant 1.000000e+00 : f32
    %sub3A_226 = vector.broadcast %sub3A : f32 to vector<128x2048xf32>
    %sub3A_227 = arith.subf %bitcast_convert_type3A, %sub3A_226 : vector<128x2048xf32>
    %add3A_228 = arith.constant 1.17549435E-38 : f32
    %add3A_229 = vector.broadcast %add3A_228 : f32 to vector<128x2048xf32>
    %add3A_230 = arith.addf %sub3A_227, %add3A_229 : vector<128x2048xf32>
    %max3A = arith.constant 1.17549435E-38 : f32
    %max3A_231 = vector.broadcast %max3A : f32 to vector<128x2048xf32>
    %max3A_232 = arith.maximumf %max3A_231, %add3A_230 : vector<128x2048xf32>
    %log3A = math.log %max3A_232 : vector<128x2048xf32>
    %neg3A = arith.constant 0.000000e+00 : f32
    %neg3A_233 = vector.broadcast %neg3A : f32 to vector<128x2048xf32>
    %neg3A_234 = arith.subf %neg3A_233, %log3A : vector<128x2048xf32>
    %log3A_235 = math.log %neg3A_234 : vector<128x2048xf32>
    %neg3A_236 = arith.constant 0.000000e+00 : f32
    %neg3A_237 = vector.broadcast %neg3A_236 : f32 to vector<128x2048xf32>
    %neg3A_238 = arith.subf %neg3A_237, %log3A_235 : vector<128x2048xf32>
    %get3A = arith.constant 0 : index
    %get3A_239 = arith.constant 0 : index
    %get3A_240 = vector.load %arg1[%get3A, %get3A_239] : memref<128x2048xf32, #tpu.memory_space<vmem>>, vector<128x2048xf32>
    %add3A_241 = arith.constant 9.99999996E-13 : f32
    %add3A_242 = vector.broadcast %add3A_241 : f32 to vector<128x2048xf32>
    %add3A_243 = arith.addf %get3A_240, %add3A_242 : vector<128x2048xf32>
    %log3A_244 = math.log %add3A_243 : vector<128x2048xf32>
    %add3A_245 = arith.addf %log3A_244, %neg3A_238 : vector<128x2048xf32>
    %lt3A = arith.constant 100000 : i32
    %lt3A_246 = vector.broadcast %lt3A : i32 to vector<128x2048xi32>
    %lt3A_247 = arith.cmpi slt, %add3A_3, %lt3A_246 : vector<128x2048xi32>
    %jit3A = arith.constant 0xFF800000 : f32
    %broadcast_in_dim3A_248 = vector.broadcast %jit3A : f32 to vector<128x2048xf32>
    %select_n3A = arith.select %lt3A_247, %add3A_245, %broadcast_in_dim3A_248 : vector<128x2048xi1>, vector<128x2048xf32>
    %reduce_max3A = arith.constant dense<0xFF800000> : vector<128xf32>
    %reduce_max3A_249 = vector.multi_reduction <maximumf>, %select_n3A, %reduce_max3A [1] : vector<128x2048xf32> to vector<128xf32>
    %broadcast_in_dim3A_250 = vector.shape_cast %reduce_max3A_249 : vector<128xf32> to vector<128x1xf32>
    %eq3A_251 = vector.broadcast %broadcast_in_dim3A_250 : vector<128x1xf32> to vector<128x2048xf32>
    %eq3A_252 = arith.cmpf oeq, %select_n3A, %eq3A_251 : vector<128x2048xf32>
    %jit3A_253 = arith.constant 2147483647 : i32
    %broadcast_in_dim3A_254 = vector.broadcast %jit3A_253 : i32 to vector<128x2048xi32>
    %select_n3A_255 = arith.select %eq3A_252, %add3A_3, %broadcast_in_dim3A_254 : vector<128x2048xi1>, vector<128x2048xi32>
    %reduce_min3A = arith.constant dense<2147483647> : vector<128xi32>
    %reduce_min3A_256 = vector.multi_reduction <minsi>, %select_n3A_255, %reduce_min3A [1] : vector<128x2048xi32> to vector<128xi32>
    %broadcast_in_dim3A_257 = vector.shape_cast %reduce_min3A_256 : vector<128xi32> to vector<128x1xi32>
    %get3A_258 = arith.constant 0 : index
    %get3A_259 = arith.constant 0 : index
    %get3A_260 = vector.load %arg4[%get3A_258, %get3A_259] : memref<128x1xf32, #tpu.memory_space<vmem>>, vector<128x1xf32>
    %gt3A = arith.cmpf ogt, %broadcast_in_dim3A_250, %get3A_260 : vector<128x1xf32>
    %get3A_261 = arith.constant 0 : index
    %get3A_262 = arith.constant 0 : index
    %get3A_263 = vector.load %arg5[%get3A_261, %get3A_262] : memref<128x1xi32, #tpu.memory_space<vmem>>, vector<128x1xi32>
    %select_n3A_264 = arith.select %gt3A, %broadcast_in_dim3A_257, %get3A_263 : vector<128x1xi1>, vector<128x1xi32>
    %swap3A = arith.constant 0 : index
    %swap3A_265 = arith.constant 0 : index
    %swap3A_266 = vector.load %arg5[%swap3A, %swap3A_265] : memref<128x1xi32, #tpu.memory_space<vmem>>, vector<128x1xi32>
    tpu.vector_store %arg5[%swap3A, %swap3A_265], %select_n3A_264 {strides = array<i32>} : memref<128x1xi32, #tpu.memory_space<vmem>>, vector<128x1xi32>,
    %get3A_267 = arith.constant 0 : index
    %get3A_268 = arith.constant 0 : index
    %get3A_269 = vector.load %arg4[%get3A_267, %get3A_268] : memref<128x1xf32, #tpu.memory_space<vmem>>, vector<128x1xf32>
    %max3A_270 = arith.maximumf %broadcast_in_dim3A_250, %get3A_269 : vector<128x1xf32>
    %swap3A_271 = arith.constant 0 : index
    %swap3A_272 = arith.constant 0 : index
    %swap3A_273 = vector.load %arg4[%swap3A_271, %swap3A_272] : memref<128x1xf32, #tpu.memory_space<vmem>>, vector<128x1xf32>
    tpu.vector_store %arg4[%swap3A_271, %swap3A_272], %max3A_270 {strides = array<i32>} : memref<128x1xf32, #tpu.memory_space<vmem>>, vector<128x1xf32>,
    %eq3A_274 = arith.constant 48 : i32
    %eq3A_275 = arith.cmpi eq, %arg0, %eq3A_274 : i32
    %convert_element_type3A_276 = arith.extui %eq3A_275 : i1 to i32
    %cond3A_277 = arith.constant 0 : i32
    %cond3A_278 = arith.cmpi ne, %convert_element_type3A_276, %cond3A_277 : i32
    scf.if %cond3A_278 {
      %get3A_279 = arith.constant 0 : index
      %get3A_280 = arith.constant 0 : index
      %get3A_281 = vector.load %arg5[%get3A_279, %get3A_280] : memref<128x1xi32, #tpu.memory_space<vmem>>, vector<128x1xi32>
      %iota3A_282 = tpu.iota {dimensions = array<i32: 0>} : vector<128x1xi32>
      %mul3A_283 = arith.constant 100000 : i32
      %mul3A_284 = vector.broadcast %mul3A_283 : i32 to vector<128x1xi32>
      %mul3A_285 = arith.muli %iota3A_282, %mul3A_284 : vector<128x1xi32>
      %add3A_286 = arith.addi %mul3A_285, %get3A_281 : vector<128x1xi32>
      %broadcast_in_dim3A_287 = arith.constant 1832780943 : i32
      %broadcast_in_dim3A_288 = vector.broadcast %broadcast_in_dim3A_287 : i32 to vector<128x1xi32>
      %add3A_289 = arith.constant 270669613 : i32
      %add3A_290 = vector.broadcast %add3A_289 : i32 to vector<128x1xi32>
      %add3A_291 = arith.addi %add3A_286, %add3A_290 : vector<128x1xi32>
      %add3A_292 = arith.addi %broadcast_in_dim3A_288, %add3A_291 : vector<128x1xi32>
      %shift_left3A_293 = arith.constant 13 : i32
      %shift_left3A_294 = vector.broadcast %shift_left3A_293 : i32 to vector<128x1xi32>
      %shift_left3A_295 = arith.shli %add3A_291, %shift_left3A_294 : vector<128x1xi32>
      %shift_right_logical3A_296 = arith.constant 19 : i32
      %shift_right_logical3A_297 = vector.broadcast %shift_right_logical3A_296 : i32 to vector<128x1xi32>
      %shift_right_logical3A_298 = arith.shrui %add3A_291, %shift_right_logical3A_297 : vector<128x1xi32>
      %or3A_299 = arith.ori %shift_left3A_295, %shift_right_logical3A_298 : vector<128x1xi32>
      %xor3A_300 = arith.xori %or3A_299, %add3A_292 : vector<128x1xi32>
      %add3A_301 = arith.addi %add3A_292, %xor3A_300 : vector<128x1xi32>
      %shift_left3A_302 = arith.constant 15 : i32
      %shift_left3A_303 = vector.broadcast %shift_left3A_302 : i32 to vector<128x1xi32>
      %shift_left3A_304 = arith.shli %xor3A_300, %shift_left3A_303 : vector<128x1xi32>
      %shift_right_logical3A_305 = arith.constant 17 : i32
      %shift_right_logical3A_306 = vector.broadcast %shift_right_logical3A_305 : i32 to vector<128x1xi32>
      %shift_right_logical3A_307 = arith.shrui %xor3A_300, %shift_right_logical3A_306 : vector<128x1xi32>
      %or3A_308 = arith.ori %shift_left3A_304, %shift_right_logical3A_307 : vector<128x1xi32>
      %xor3A_309 = arith.xori %or3A_308, %add3A_301 : vector<128x1xi32>
      %add3A_310 = arith.addi %add3A_301, %xor3A_309 : vector<128x1xi32>
      %shift_left3A_311 = arith.constant 26 : i32
      %shift_left3A_312 = vector.broadcast %shift_left3A_311 : i32 to vector<128x1xi32>
      %shift_left3A_313 = arith.shli %xor3A_309, %shift_left3A_312 : vector<128x1xi32>
      %shift_right_logical3A_314 = arith.constant 6 : i32
      %shift_right_logical3A_315 = vector.broadcast %shift_right_logical3A_314 : i32 to vector<128x1xi32>
      %shift_right_logical3A_316 = arith.shrui %xor3A_309, %shift_right_logical3A_315 : vector<128x1xi32>
      %or3A_317 = arith.ori %shift_left3A_313, %shift_right_logical3A_316 : vector<128x1xi32>
      %xor3A_318 = arith.xori %or3A_317, %add3A_310 : vector<128x1xi32>
      %add3A_319 = arith.addi %add3A_310, %xor3A_318 : vector<128x1xi32>
      %shift_left3A_320 = arith.constant 6 : i32
      %shift_left3A_321 = vector.broadcast %shift_left3A_320 : i32 to vector<128x1xi32>
      %shift_left3A_322 = arith.shli %xor3A_318, %shift_left3A_321 : vector<128x1xi32>
      %shift_right_logical3A_323 = arith.constant 26 : i32
      %shift_right_logical3A_324 = vector.broadcast %shift_right_logical3A_323 : i32 to vector<128x1xi32>
      %shift_right_logical3A_325 = arith.shrui %xor3A_318, %shift_right_logical3A_324 : vector<128x1xi32>
      %or3A_326 = arith.ori %shift_left3A_322, %shift_right_logical3A_325 : vector<128x1xi32>
      %xor3A_327 = arith.xori %or3A_326, %add3A_319 : vector<128x1xi32>
      %add3A_328 = arith.constant 270669613 : i32
      %add3A_329 = vector.broadcast %add3A_328 : i32 to vector<128x1xi32>
      %add3A_330 = arith.addi %add3A_319, %add3A_329 : vector<128x1xi32>
      %add3A_331 = arith.constant 1724713081 : i32
      %add3A_332 = vector.broadcast %add3A_331 : i32 to vector<128x1xi32>
      %add3A_333 = arith.addi %xor3A_327, %add3A_332 : vector<128x1xi32>
      %add3A_334 = arith.addi %add3A_330, %add3A_333 : vector<128x1xi32>
      %shift_left3A_335 = arith.constant 17 : i32
      %shift_left3A_336 = vector.broadcast %shift_left3A_335 : i32 to vector<128x1xi32>
      %shift_left3A_337 = arith.shli %add3A_333, %shift_left3A_336 : vector<128x1xi32>
      %shift_right_logical3A_338 = arith.constant 15 : i32
      %shift_right_logical3A_339 = vector.broadcast %shift_right_logical3A_338 : i32 to vector<128x1xi32>
      %shift_right_logical3A_340 = arith.shrui %add3A_333, %shift_right_logical3A_339 : vector<128x1xi32>
      %or3A_341 = arith.ori %shift_left3A_337, %shift_right_logical3A_340 : vector<128x1xi32>
      %xor3A_342 = arith.xori %or3A_341, %add3A_334 : vector<128x1xi32>
      %add3A_343 = arith.addi %add3A_334, %xor3A_342 : vector<128x1xi32>
      %shift_left3A_344 = arith.constant 29 : i32
      %shift_left3A_345 = vector.broadcast %shift_left3A_344 : i32 to vector<128x1xi32>
      %shift_left3A_346 = arith.shli %xor3A_342, %shift_left3A_345 : vector<128x1xi32>
      %shift_right_logical3A_347 = arith.constant 3 : i32
      %shift_right_logical3A_348 = vector.broadcast %shift_right_logical3A_347 : i32 to vector<128x1xi32>
      %shift_right_logical3A_349 = arith.shrui %xor3A_342, %shift_right_logical3A_348 : vector<128x1xi32>
      %or3A_350 = arith.ori %shift_left3A_346, %shift_right_logical3A_349 : vector<128x1xi32>
      %xor3A_351 = arith.xori %or3A_350, %add3A_343 : vector<128x1xi32>
      %add3A_352 = arith.addi %add3A_343, %xor3A_351 : vector<128x1xi32>
      %shift_left3A_353 = arith.constant 16 : i32
      %shift_left3A_354 = vector.broadcast %shift_left3A_353 : i32 to vector<128x1xi32>
      %shift_left3A_355 = arith.shli %xor3A_351, %shift_left3A_354 : vector<128x1xi32>
      %shift_right_logical3A_356 = arith.constant 16 : i32
      %shift_right_logical3A_357 = vector.broadcast %shift_right_logical3A_356 : i32 to vector<128x1xi32>
      %shift_right_logical3A_358 = arith.shrui %xor3A_351, %shift_right_logical3A_357 : vector<128x1xi32>
      %or3A_359 = arith.ori %shift_left3A_355, %shift_right_logical3A_358 : vector<128x1xi32>
      %xor3A_360 = arith.xori %or3A_359, %add3A_352 : vector<128x1xi32>
      %add3A_361 = arith.addi %add3A_352, %xor3A_360 : vector<128x1xi32>
      %shift_left3A_362 = arith.constant 24 : i32
      %shift_left3A_363 = vector.broadcast %shift_left3A_362 : i32 to vector<128x1xi32>
      %shift_left3A_364 = arith.shli %xor3A_360, %shift_left3A_363 : vector<128x1xi32>
      %shift_right_logical3A_365 = arith.constant 8 : i32
      %shift_right_logical3A_366 = vector.broadcast %shift_right_logical3A_365 : i32 to vector<128x1xi32>
      %shift_right_logical3A_367 = arith.shrui %xor3A_360, %shift_right_logical3A_366 : vector<128x1xi32>
      %or3A_368 = arith.ori %shift_left3A_364, %shift_right_logical3A_367 : vector<128x1xi32>
      %xor3A_369 = arith.xori %or3A_368, %add3A_361 : vector<128x1xi32>
      %add3A_370 = arith.constant 1724713080 : i32
      %add3A_371 = vector.broadcast %add3A_370 : i32 to vector<128x1xi32>
      %add3A_372 = arith.addi %add3A_361, %add3A_371 : vector<128x1xi32>
      %add3A_373 = arith.constant 1832780945 : i32
      %add3A_374 = vector.broadcast %add3A_373 : i32 to vector<128x1xi32>
      %add3A_375 = arith.addi %xor3A_369, %add3A_374 : vector<128x1xi32>
      %add3A_376 = arith.addi %add3A_372, %add3A_375 : vector<128x1xi32>
      %shift_left3A_377 = arith.constant 13 : i32
      %shift_left3A_378 = vector.broadcast %shift_left3A_377 : i32 to vector<128x1xi32>
      %shift_left3A_379 = arith.shli %add3A_375, %shift_left3A_378 : vector<128x1xi32>
      %shift_right_logical3A_380 = arith.constant 19 : i32
      %shift_right_logical3A_381 = vector.broadcast %shift_right_logical3A_380 : i32 to vector<128x1xi32>
      %shift_right_logical3A_382 = arith.shrui %add3A_375, %shift_right_logical3A_381 : vector<128x1xi32>
      %or3A_383 = arith.ori %shift_left3A_379, %shift_right_logical3A_382 : vector<128x1xi32>
      %xor3A_384 = arith.xori %or3A_383, %add3A_376 : vector<128x1xi32>
      %add3A_385 = arith.addi %add3A_376, %xor3A_384 : vector<128x1xi32>
      %shift_left3A_386 = arith.constant 15 : i32
      %shift_left3A_387 = vector.broadcast %shift_left3A_386 : i32 to vector<128x1xi32>
      %shift_left3A_388 = arith.shli %xor3A_384, %shift_left3A_387 : vector<128x1xi32>
      %shift_right_logical3A_389 = arith.constant 17 : i32
      %shift_right_logical3A_390 = vector.broadcast %shift_right_logical3A_389 : i32 to vector<128x1xi32>
      %shift_right_logical3A_391 = arith.shrui %xor3A_384, %shift_right_logical3A_390 : vector<128x1xi32>
      %or3A_392 = arith.ori %shift_left3A_388, %shift_right_logical3A_391 : vector<128x1xi32>
      %xor3A_393 = arith.xori %or3A_392, %add3A_385 : vector<128x1xi32>
      %add3A_394 = arith.addi %add3A_385, %xor3A_393 : vector<128x1xi32>
      %shift_left3A_395 = arith.constant 26 : i32
      %shift_left3A_396 = vector.broadcast %shift_left3A_395 : i32 to vector<128x1xi32>
      %shift_left3A_397 = arith.shli %xor3A_393, %shift_left3A_396 : vector<128x1xi32>
      %shift_right_logical3A_398 = arith.constant 6 : i32
      %shift_right_logical3A_399 = vector.broadcast %shift_right_logical3A_398 : i32 to vector<128x1xi32>
      %shift_right_logical3A_400 = arith.shrui %xor3A_393, %shift_right_logical3A_399 : vector<128x1xi32>
      %or3A_401 = arith.ori %shift_left3A_397, %shift_right_logical3A_400 : vector<128x1xi32>
      %xor3A_402 = arith.xori %or3A_401, %add3A_394 : vector<128x1xi32>
      %add3A_403 = arith.addi %add3A_394, %xor3A_402 : vector<128x1xi32>
      %shift_left3A_404 = arith.constant 6 : i32
      %shift_left3A_405 = vector.broadcast %shift_left3A_404 : i32 to vector<128x1xi32>
      %shift_left3A_406 = arith.shli %xor3A_402, %shift_left3A_405 : vector<128x1xi32>
      %shift_right_logical3A_407 = arith.constant 26 : i32
      %shift_right_logical3A_408 = vector.broadcast %shift_right_logical3A_407 : i32 to vector<128x1xi32>
      %shift_right_logical3A_409 = arith.shrui %xor3A_402, %shift_right_logical3A_408 : vector<128x1xi32>
      %or3A_410 = arith.ori %shift_left3A_406, %shift_right_logical3A_409 : vector<128x1xi32>
      %xor3A_411 = arith.xori %or3A_410, %add3A_403 : vector<128x1xi32>
      %add3A_412 = arith.constant 1832780943 : i32
      %add3A_413 = vector.broadcast %add3A_412 : i32 to vector<128x1xi32>
      %add3A_414 = arith.addi %add3A_403, %add3A_413 : vector<128x1xi32>
      %add3A_415 = arith.constant 270669616 : i32
      %add3A_416 = vector.broadcast %add3A_415 : i32 to vector<128x1xi32>
      %add3A_417 = arith.addi %xor3A_411, %add3A_416 : vector<128x1xi32>
      %add3A_418 = arith.addi %add3A_414, %add3A_417 : vector<128x1xi32>
      %shift_left3A_419 = arith.constant 17 : i32
      %shift_left3A_420 = vector.broadcast %shift_left3A_419 : i32 to vector<128x1xi32>
      %shift_left3A_421 = arith.shli %add3A_417, %shift_left3A_420 : vector<128x1xi32>
      %shift_right_logical3A_422 = arith.constant 15 : i32
      %shift_right_logical3A_423 = vector.broadcast %shift_right_logical3A_422 : i32 to vector<128x1xi32>
      %shift_right_logical3A_424 = arith.shrui %add3A_417, %shift_right_logical3A_423 : vector<128x1xi32>
      %or3A_425 = arith.ori %shift_left3A_421, %shift_right_logical3A_424 : vector<128x1xi32>
      %xor3A_426 = arith.xori %or3A_425, %add3A_418 : vector<128x1xi32>
      %add3A_427 = arith.addi %add3A_418, %xor3A_426 : vector<128x1xi32>
      %shift_left3A_428 = arith.constant 29 : i32
      %shift_left3A_429 = vector.broadcast %shift_left3A_428 : i32 to vector<128x1xi32>
      %shift_left3A_430 = arith.shli %xor3A_426, %shift_left3A_429 : vector<128x1xi32>
      %shift_right_logical3A_431 = arith.constant 3 : i32
      %shift_right_logical3A_432 = vector.broadcast %shift_right_logical3A_431 : i32 to vector<128x1xi32>
      %shift_right_logical3A_433 = arith.shrui %xor3A_426, %shift_right_logical3A_432 : vector<128x1xi32>
      %or3A_434 = arith.ori %shift_left3A_430, %shift_right_logical3A_433 : vector<128x1xi32>
      %xor3A_435 = arith.xori %or3A_434, %add3A_427 : vector<128x1xi32>
      %add3A_436 = arith.addi %add3A_427, %xor3A_435 : vector<128x1xi32>
      %shift_left3A_437 = arith.constant 16 : i32
      %shift_left3A_438 = vector.broadcast %shift_left3A_437 : i32 to vector<128x1xi32>
      %shift_left3A_439 = arith.shli %xor3A_435, %shift_left3A_438 : vector<128x1xi32>
      %shift_right_logical3A_440 = arith.constant 16 : i32
      %shift_right_logical3A_441 = vector.broadcast %shift_right_logical3A_440 : i32 to vector<128x1xi32>
      %shift_right_logical3A_442 = arith.shrui %xor3A_435, %shift_right_logical3A_441 : vector<128x1xi32>
      %or3A_443 = arith.ori %shift_left3A_439, %shift_right_logical3A_442 : vector<128x1xi32>
      %xor3A_444 = arith.xori %or3A_443, %add3A_436 : vector<128x1xi32>
      %add3A_445 = arith.addi %add3A_436, %xor3A_444 : vector<128x1xi32>
      %shift_left3A_446 = arith.constant 24 : i32
      %shift_left3A_447 = vector.broadcast %shift_left3A_446 : i32 to vector<128x1xi32>
      %shift_left3A_448 = arith.shli %xor3A_444, %shift_left3A_447 : vector<128x1xi32>
      %shift_right_logical3A_449 = arith.constant 8 : i32
      %shift_right_logical3A_450 = vector.broadcast %shift_right_logical3A_449 : i32 to vector<128x1xi32>
      %shift_right_logical3A_451 = arith.shrui %xor3A_444, %shift_right_logical3A_450 : vector<128x1xi32>
      %or3A_452 = arith.ori %shift_left3A_448, %shift_right_logical3A_451 : vector<128x1xi32>
      %xor3A_453 = arith.xori %or3A_452, %add3A_445 : vector<128x1xi32>
      %add3A_454 = arith.constant 270669613 : i32
      %add3A_455 = vector.broadcast %add3A_454 : i32 to vector<128x1xi32>
      %add3A_456 = arith.addi %add3A_445, %add3A_455 : vector<128x1xi32>
      %add3A_457 = arith.constant 1724713084 : i32
      %add3A_458 = vector.broadcast %add3A_457 : i32 to vector<128x1xi32>
      %add3A_459 = arith.addi %xor3A_453, %add3A_458 : vector<128x1xi32>
      %add3A_460 = arith.addi %add3A_456, %add3A_459 : vector<128x1xi32>
      %shift_left3A_461 = arith.constant 13 : i32
      %shift_left3A_462 = vector.broadcast %shift_left3A_461 : i32 to vector<128x1xi32>
      %shift_left3A_463 = arith.shli %add3A_459, %shift_left3A_462 : vector<128x1xi32>
      %shift_right_logical3A_464 = arith.constant 19 : i32
      %shift_right_logical3A_465 = vector.broadcast %shift_right_logical3A_464 : i32 to vector<128x1xi32>
      %shift_right_logical3A_466 = arith.shrui %add3A_459, %shift_right_logical3A_465 : vector<128x1xi32>
      %or3A_467 = arith.ori %shift_left3A_463, %shift_right_logical3A_466 : vector<128x1xi32>
      %xor3A_468 = arith.xori %or3A_467, %add3A_460 : vector<128x1xi32>
      %add3A_469 = arith.addi %add3A_460, %xor3A_468 : vector<128x1xi32>
      %shift_left3A_470 = arith.constant 15 : i32
      %shift_left3A_471 = vector.broadcast %shift_left3A_470 : i32 to vector<128x1xi32>
      %shift_left3A_472 = arith.shli %xor3A_468, %shift_left3A_471 : vector<128x1xi32>
      %shift_right_logical3A_473 = arith.constant 17 : i32
      %shift_right_logical3A_474 = vector.broadcast %shift_right_logical3A_473 : i32 to vector<128x1xi32>
      %shift_right_logical3A_475 = arith.shrui %xor3A_468, %shift_right_logical3A_474 : vector<128x1xi32>
      %or3A_476 = arith.ori %shift_left3A_472, %shift_right_logical3A_475 : vector<128x1xi32>
      %xor3A_477 = arith.xori %or3A_476, %add3A_469 : vector<128x1xi32>
      %add3A_478 = arith.addi %add3A_469, %xor3A_477 : vector<128x1xi32>
      %shift_left3A_479 = arith.constant 26 : i32
      %shift_left3A_480 = vector.broadcast %shift_left3A_479 : i32 to vector<128x1xi32>
      %shift_left3A_481 = arith.shli %xor3A_477, %shift_left3A_480 : vector<128x1xi32>
      %shift_right_logical3A_482 = arith.constant 6 : i32
      %shift_right_logical3A_483 = vector.broadcast %shift_right_logical3A_482 : i32 to vector<128x1xi32>
      %shift_right_logical3A_484 = arith.shrui %xor3A_477, %shift_right_logical3A_483 : vector<128x1xi32>
      %or3A_485 = arith.ori %shift_left3A_481, %shift_right_logical3A_484 : vector<128x1xi32>
      %xor3A_486 = arith.xori %or3A_485, %add3A_478 : vector<128x1xi32>
      %add3A_487 = arith.addi %add3A_478, %xor3A_486 : vector<128x1xi32>
      %shift_left3A_488 = arith.constant 6 : i32
      %shift_left3A_489 = vector.broadcast %shift_left3A_488 : i32 to vector<128x1xi32>
      %shift_left3A_490 = arith.shli %xor3A_486, %shift_left3A_489 : vector<128x1xi32>
      %shift_right_logical3A_491 = arith.constant 26 : i32
      %shift_right_logical3A_492 = vector.broadcast %shift_right_logical3A_491 : i32 to vector<128x1xi32>
      %shift_right_logical3A_493 = arith.shrui %xor3A_486, %shift_right_logical3A_492 : vector<128x1xi32>
      %or3A_494 = arith.ori %shift_left3A_490, %shift_right_logical3A_493 : vector<128x1xi32>
      %xor3A_495 = arith.xori %or3A_494, %add3A_487 : vector<128x1xi32>
      %add3A_496 = arith.constant 1724713080 : i32
      %add3A_497 = vector.broadcast %add3A_496 : i32 to vector<128x1xi32>
      %add3A_498 = arith.addi %add3A_487, %add3A_497 : vector<128x1xi32>
      %add3A_499 = arith.constant 1832780948 : i32
      %add3A_500 = vector.broadcast %add3A_499 : i32 to vector<128x1xi32>
      %add3A_501 = arith.addi %xor3A_495, %add3A_500 : vector<128x1xi32>
      %xor3A_502 = arith.xori %add3A_498, %add3A_501 : vector<128x1xi32>
      %shift_right_logical3A_503 = arith.constant 9 : i32
      %shift_right_logical3A_504 = vector.broadcast %shift_right_logical3A_503 : i32 to vector<128x1xi32>
      %shift_right_logical3A_505 = arith.shrui %xor3A_502, %shift_right_logical3A_504 : vector<128x1xi32>
      %or3A_506 = arith.constant 1065353216 : i32
      %or3A_507 = vector.broadcast %or3A_506 : i32 to vector<128x1xi32>
      %or3A_508 = arith.ori %shift_right_logical3A_505, %or3A_507 : vector<128x1xi32>
      %bitcast_convert_type3A_509 = tpu.bitcast %or3A_508 : vector<128x1xi32> -> vector<128x1xf32>
      %sub3A_510 = arith.constant 1.000000e+00 : f32
      %sub3A_511 = vector.broadcast %sub3A_510 : f32 to vector<128x1xf32>
      %sub3A_512 = arith.subf %bitcast_convert_type3A_509, %sub3A_511 : vector<128x1xf32>
      %mul3A_513 = arith.constant 2.000000e+00 : f32
      %mul3A_514 = vector.broadcast %mul3A_513 : f32 to vector<128x1xf32>
      %mul3A_515 = arith.mulf %sub3A_512, %mul3A_514 : vector<128x1xf32>
      %add3A_516 = arith.constant -0.99999994 : f32
      %add3A_517 = vector.broadcast %add3A_516 : f32 to vector<128x1xf32>
      %add3A_518 = arith.addf %mul3A_515, %add3A_517 : vector<128x1xf32>
      %max3A_519 = arith.constant -0.99999994 : f32
      %max3A_520 = vector.broadcast %max3A_519 : f32 to vector<128x1xf32>
      %max3A_521 = arith.maximumf %max3A_520, %add3A_518 : vector<128x1xf32>
      %erf_inv3A = arith.constant 0.000000e+00 : f32
      %erf_inv3A_522 = vector.broadcast %erf_inv3A : f32 to vector<128x1xf32>
      %erf_inv3A_523 = arith.subf %erf_inv3A_522, %max3A_521 : vector<128x1xf32>
      %erf_inv3A_524 = arith.mulf %max3A_521, %erf_inv3A_523 : vector<128x1xf32>
      %erf_inv3A_525 = math.log1p %erf_inv3A_524 : vector<128x1xf32>
      %erf_inv3A_526 = arith.constant 0.000000e+00 : f32
      %erf_inv3A_527 = vector.broadcast %erf_inv3A_526 : f32 to vector<128x1xf32>
      %erf_inv3A_528 = arith.subf %erf_inv3A_527, %erf_inv3A_525 : vector<128x1xf32>
      %erf_inv3A_529 = arith.constant 5.000000e+00 : f32
      %erf_inv3A_530 = vector.broadcast %erf_inv3A_529 : f32 to vector<128x1xf32>
      %erf_inv3A_531 = arith.cmpf olt, %erf_inv3A_528, %erf_inv3A_530 : vector<128x1xf32>
      %erf_inv3A_532 = arith.constant 2.500000e+00 : f32
      %erf_inv3A_533 = vector.broadcast %erf_inv3A_532 : f32 to vector<128x1xf32>
      %erf_inv3A_534 = arith.subf %erf_inv3A_528, %erf_inv3A_533 : vector<128x1xf32>
      %erf_inv3A_535 = math.sqrt %erf_inv3A_528 : vector<128x1xf32>
      %erf_inv3A_536 = arith.constant 3.000000e+00 : f32
      %erf_inv3A_537 = vector.broadcast %erf_inv3A_536 : f32 to vector<128x1xf32>
      %erf_inv3A_538 = arith.subf %erf_inv3A_535, %erf_inv3A_537 : vector<128x1xf32>
      %erf_inv3A_539 = arith.select %erf_inv3A_531, %erf_inv3A_534, %erf_inv3A_538 : vector<128x1xi1>, vector<128x1xf32>
      %erf_inv3A_540 = arith.constant 2.81022636E-8 : f32
      %erf_inv3A_541 = arith.constant -2.00214257E-4 : f32
      %erf_inv3A_542 = vector.broadcast %erf_inv3A_540 : f32 to vector<128x1xf32>
      %erf_inv3A_543 = vector.broadcast %erf_inv3A_541 : f32 to vector<128x1xf32>
      %erf_inv3A_544 = arith.select %erf_inv3A_531, %erf_inv3A_542, %erf_inv3A_543 : vector<128x1xi1>, vector<128x1xf32>
      %erf_inv3A_545 = arith.constant 3.43273939E-7 : f32
      %erf_inv3A_546 = arith.constant 1.00950558E-4 : f32
      %erf_inv3A_547 = vector.broadcast %erf_inv3A_545 : f32 to vector<128x1xf32>
      %erf_inv3A_548 = vector.broadcast %erf_inv3A_546 : f32 to vector<128x1xf32>
      %erf_inv3A_549 = arith.select %erf_inv3A_531, %erf_inv3A_547, %erf_inv3A_548 : vector<128x1xi1>, vector<128x1xf32>
      %erf_inv3A_550 = arith.mulf %erf_inv3A_544, %erf_inv3A_539 : vector<128x1xf32>
      %erf_inv3A_551 = arith.addf %erf_inv3A_549, %erf_inv3A_550 : vector<128x1xf32>
      %erf_inv3A_552 = arith.constant -3.5233877E-6 : f32
      %erf_inv3A_553 = arith.constant 0.00134934322 : f32
      %erf_inv3A_554 = vector.broadcast %erf_inv3A_552 : f32 to vector<128x1xf32>
      %erf_inv3A_555 = vector.broadcast %erf_inv3A_553 : f32 to vector<128x1xf32>
      %erf_inv3A_556 = arith.select %erf_inv3A_531, %erf_inv3A_554, %erf_inv3A_555 : vector<128x1xi1>, vector<128x1xf32>
      %erf_inv3A_557 = arith.mulf %erf_inv3A_551, %erf_inv3A_539 : vector<128x1xf32>
      %erf_inv3A_558 = arith.addf %erf_inv3A_556, %erf_inv3A_557 : vector<128x1xf32>
      %erf_inv3A_559 = arith.constant -4.39150654E-6 : f32
      %erf_inv3A_560 = arith.constant -0.00367342844 : f32
      %erf_inv3A_561 = vector.broadcast %erf_inv3A_559 : f32 to vector<128x1xf32>
      %erf_inv3A_562 = vector.broadcast %erf_inv3A_560 : f32 to vector<128x1xf32>
      %erf_inv3A_563 = arith.select %erf_inv3A_531, %erf_inv3A_561, %erf_inv3A_562 : vector<128x1xi1>, vector<128x1xf32>
      %erf_inv3A_564 = arith.mulf %erf_inv3A_558, %erf_inv3A_539 : vector<128x1xf32>
      %erf_inv3A_565 = arith.addf %erf_inv3A_563, %erf_inv3A_564 : vector<128x1xf32>
      %erf_inv3A_566 = arith.constant 2.1858087E-4 : f32
      %erf_inv3A_567 = arith.constant 0.00573950773 : f32
      %erf_inv3A_568 = vector.broadcast %erf_inv3A_566 : f32 to vector<128x1xf32>
      %erf_inv3A_569 = vector.broadcast %erf_inv3A_567 : f32 to vector<128x1xf32>
      %erf_inv3A_570 = arith.select %erf_inv3A_531, %erf_inv3A_568, %erf_inv3A_569 : vector<128x1xi1>, vector<128x1xf32>
      %erf_inv3A_571 = arith.mulf %erf_inv3A_565, %erf_inv3A_539 : vector<128x1xf32>
      %erf_inv3A_572 = arith.addf %erf_inv3A_570, %erf_inv3A_571 : vector<128x1xf32>
      %erf_inv3A_573 = arith.constant -0.00125372503 : f32
      %erf_inv3A_574 = arith.constant -0.0076224613 : f32
      %erf_inv3A_575 = vector.broadcast %erf_inv3A_573 : f32 to vector<128x1xf32>
      %erf_inv3A_576 = vector.broadcast %erf_inv3A_574 : f32 to vector<128x1xf32>
      %erf_inv3A_577 = arith.select %erf_inv3A_531, %erf_inv3A_575, %erf_inv3A_576 : vector<128x1xi1>, vector<128x1xf32>
      %erf_inv3A_578 = arith.mulf %erf_inv3A_572, %erf_inv3A_539 : vector<128x1xf32>
      %erf_inv3A_579 = arith.addf %erf_inv3A_577, %erf_inv3A_578 : vector<128x1xf32>
      %erf_inv3A_580 = arith.constant -0.00417768164 : f32
      %erf_inv3A_581 = arith.constant 0.00943887047 : f32
      %erf_inv3A_582 = vector.broadcast %erf_inv3A_580 : f32 to vector<128x1xf32>
      %erf_inv3A_583 = vector.broadcast %erf_inv3A_581 : f32 to vector<128x1xf32>
      %erf_inv3A_584 = arith.select %erf_inv3A_531, %erf_inv3A_582, %erf_inv3A_583 : vector<128x1xi1>, vector<128x1xf32>
      %erf_inv3A_585 = arith.mulf %erf_inv3A_579, %erf_inv3A_539 : vector<128x1xf32>
      %erf_inv3A_586 = arith.addf %erf_inv3A_584, %erf_inv3A_585 : vector<128x1xf32>
      %erf_inv3A_587 = arith.constant 0.246640727 : f32
      %erf_inv3A_588 = arith.constant 1.00167406 : f32
      %erf_inv3A_589 = vector.broadcast %erf_inv3A_587 : f32 to vector<128x1xf32>
      %erf_inv3A_590 = vector.broadcast %erf_inv3A_588 : f32 to vector<128x1xf32>
      %erf_inv3A_591 = arith.select %erf_inv3A_531, %erf_inv3A_589, %erf_inv3A_590 : vector<128x1xi1>, vector<128x1xf32>
      %erf_inv3A_592 = arith.mulf %erf_inv3A_586, %erf_inv3A_539 : vector<128x1xf32>
      %erf_inv3A_593 = arith.addf %erf_inv3A_591, %erf_inv3A_592 : vector<128x1xf32>
      %erf_inv3A_594 = arith.constant 1.50140941 : f32
      %erf_inv3A_595 = arith.constant 2.83297682 : f32
      %erf_inv3A_596 = vector.broadcast %erf_inv3A_594 : f32 to vector<128x1xf32>
      %erf_inv3A_597 = vector.broadcast %erf_inv3A_595 : f32 to vector<128x1xf32>
      %erf_inv3A_598 = arith.select %erf_inv3A_531, %erf_inv3A_596, %erf_inv3A_597 : vector<128x1xi1>, vector<128x1xf32>
      %erf_inv3A_599 = arith.mulf %erf_inv3A_593, %erf_inv3A_539 : vector<128x1xf32>
      %erf_inv3A_600 = arith.addf %erf_inv3A_598, %erf_inv3A_599 : vector<128x1xf32>
      %erf_inv3A_601 = math.absf %max3A_521 : vector<128x1xf32>
      %erf_inv3A_602 = arith.constant 1.000000e+00 : f32
      %erf_inv3A_603 = vector.broadcast %erf_inv3A_602 : f32 to vector<128x1xf32>
      %erf_inv3A_604 = arith.cmpf oeq, %erf_inv3A_601, %erf_inv3A_603 : vector<128x1xf32>
      %erf_inv3A_605 = arith.constant 0x7F800000 : f32
      %erf_inv3A_606 = vector.broadcast %erf_inv3A_605 : f32 to vector<128x1xf32>
      %erf_inv3A_607 = arith.mulf %erf_inv3A_606, %max3A_521 : vector<128x1xf32>
      %erf_inv3A_608 = arith.mulf %erf_inv3A_600, %max3A_521 : vector<128x1xf32>
      %erf_inv3A_609 = arith.select %erf_inv3A_604, %erf_inv3A_607, %erf_inv3A_608 : vector<128x1xi1>, vector<128x1xf32>
      %mul3A_610 = arith.constant 1.41421354 : f32
      %mul3A_611 = vector.broadcast %mul3A_610 : f32 to vector<128x1xf32>
      %mul3A_612 = arith.mulf %mul3A_611, %erf_inv3A_609 : vector<128x1xf32>
      %swap3A_613 = arith.constant 0 : index
      %swap3A_614 = arith.constant 0 : index
      %swap3A_615 = vector.load %arg3[%swap3A_613, %swap3A_614] : memref<128x1xf32, #tpu.memory_space<vmem>>, vector<128x1xf32>
      tpu.vector_store %arg3[%swap3A_613, %swap3A_614], %mul3A_612 {strides = array<i32>} : memref<128x1xf32, #tpu.memory_space<vmem>>, vector<128x1xf32>,
      %swap3A_616 = arith.constant 0 : index
      %swap3A_617 = arith.constant 0 : index
      %swap3A_618 = vector.load %arg2[%swap3A_616, %swap3A_617] : memref<128x1xi32, #tpu.memory_space<vmem>>, vector<128x1xi32>
      tpu.vector_store %arg2[%swap3A_616, %swap3A_617], %add3A_286 {strides = array<i32>} : memref<128x1xi32, #tpu.memory_space<vmem>>, vector<128x1xi32>,
    } else {
    }
    return
  }
  func.func @transform_0(%arg0: i32) -> (i32, i32) {
    %c0_i32 = arith.constant 0 : i32
    %c0_i32_0 = arith.constant 0 : i32
    return %c0_i32, %arg0 : i32, i32
  }
  func.func @transform_1(%arg0: i32) -> (i32, i32) {
    %c0_i32 = arith.constant 0 : i32
    %c0_i32_0 = arith.constant 0 : i32
    %c0_i32_1 = arith.constant 0 : i32
    return %c0_i32, %c0_i32_0 : i32, i32
  }
  func.func @transform_2(%arg0: i32) -> (i32, i32) {
    %c0_i32 = arith.constant 0 : i32
    %c0_i32_0 = arith.constant 0 : i32
    %c0_i32_1 = arith.constant 0 : i32
    return %c0_i32, %c0_i32_0 : i32, i32
  }
}

</mosaic_0001>

<sc_bundles>
// kernel: kernel.4.cloned.1.call-start
scs
__scs_entry_jumppad:
0x0: {  	(pc) =	sbr.rel $0x88, $3  }
0x1: {  	(tag) =	ssettag $0x0;
	lr =	simm.s32 $0x1  }
0x2: {  	[smem:$0x3F9E] =	sst lr;
	_ =	strace $0xD0000000  }
0x3: {  	_ = 	snop  }
0x4: {  	_ = 	snop  }
0x5: {  	_ = 	snop  }
0x6: {  	_ = 	snop  }
0x7: {  	_ = 	snop  }
__scs_overlays_trampoline_lowered:
0x8: {  	[smem:$0x3FAD] =	sst s0  }
0x9: {  	[smem:$0x3FAE] =	sst s1  }
0xa: {  	[smem:$0x3FAF] =	sst s2  }
0xb: {  	[smem:$0x3FB0] =	sst s3  }
0xc: {  	[smem:$0x3FB1] =	sst s4  }
0xd: {  	[smem:$0x3FB2] =	sst s5  }
0xe: {  	[smem:$0x3FB3] =	sst s6  }
0xf: {  	[smem:$0x3FB4] =	sst s7  }
0x10: {  	[smem:$0x3FB5] =	sst s8  }
0x11: {  	[smem:$0x3FB6] =	sst s9;
	s0 =	simm.s32 @!p0 $0x0  }
0x12: {  	s1 =	sld [smem:$0x3F9C];
	s0 =	simm.s32 @p0 $0x1  }
0x13: {  	[smem:$0x3FB7] =	sst s0;
	s0 =	simm.s32 @!p1 $0x0  }
0x14: {  	s2 =	sld [smem:$0x3F9B];
	s0 =	simm.s32 @p1 $0x1  }
0x15: {  	[smem:$0x3FB8] =	sst s0;
	s0 =	simm.s32 @!p2 $0x0  }
0x16: {  	s3 =	sld [smem:$0x3FDB];
	s0 =	simm.s32 @p2 $0x1  }
0x17: {  	s4 =	simm.s32 $0x1BF5;
	[smem:$0x3FBA] =	sst s0  }
0x18: {  	s0 =	sld [smem:$0x3F9D];
	_ =	swait.ge [sflag:s4], $0x0  }
0x19: {  	s7 =	sld [smem:$0x3F9E]  }
0x1a: {  	s8 =	sadd.s32 $0xFFFFE003, lr  }
0x1b: {  	s9 =	sadd.s32 $0xFFFFFEF7, lr;
	s5 =	simm.s32 $0xFFFFFFFF;
	p2 =	slt.u32 s8, $0xFFFFF086  }
0x1c: {  	p1 =	slt.u32 s9, $0xF7A;
	s5 =	simm.s32 @!p2 $0x0  }
0x1d: {  	s5 =	simm.s32 @p1 $0x1;
	p0 =	seq.s32 s7, s2  }
0x1e: {  	s7 =	smul.u32 @!p0 $0xF7A, s2;
	p2 =	seq.s32 @!p0 s5, $0x0  }
0x1f: {  	s9 =	smul.u32 $0xF7A, s1;
	s8 =	simm.s32 @!p0 $0x1BF5;
	p2 =	por !p2, p0  }
0x20: {  	[sflag:s8] =	ssyncset.s32 @!p0 $0xFFFFF086;
	s6 =	sadd.s32 @!p0 s3, s7;
	s7 =	simm.s32 @!p0 $0x108  }
0x21: {  	s3 =	sadd.s32 s3, s9;
	s6 =	sadd.s32 @!p0 $0x88, s6;
	s7 =	simm.s32 @p2 $0x1082  }
0x22: {  	[simem:s7], [sflag:s8] =	dma.local @!p0 [hbm:s6], $0xF7A  }
0x23: {  	s9 =	sor.u32 $0xD0000000, s2;
	s6 =	simm.s32 $0x108;
	_ =	swait.ge @!p0 [sflag:s8], $0x0  }
0x24: {  	s3 =	sadd.s32 $0x88, s3;
	s6 =	simm.s32 @!p1 $0x1082;
	[sflag:s4] =	ssyncset.s32 $0xFFFFF086  }
0x25: {  	[simem:s6], [sflag:s4] =	dma.local [hbm:s3], $0xF7A  }
0x26: {  	[smem:$0x3F9E] =	sst s1;
	(tag) =	ssettag s2;
	_ =	strace s9  }
0x27: {  	s1 =	sld [smem:$0x3FAE]  }
0x28: {  	s2 =	sld [smem:$0x3FAF]  }
0x29: {  	s4 =	sld [smem:$0x3FB1]  }
0x2a: {  	p0 =	seq.s32 s5, $0x0;
	s5 =	sld [smem:$0x3FB2]  }
0x2b: {  	s6 =	sld [smem:$0x3FB3]  }
0x2c: {  	s7 =	sld [smem:$0x3FB4]  }
0x2d: {  	s3 =	simm.s32 $0x108;
	s8 =	sld [smem:$0x3FB5]  }
0x2e: {  	s3 =	simm.s32 @!p0 $0x1082;
	s9 =	sld [smem:$0x3FB6]  }
0x2f: {  	lr =	sadd.s32 s0, s3;
	s0 =	sld [smem:$0x3FAD]  }
0x30: {  	s3 =	sld [smem:$0x3FB0]  }
0x31: {  	[smem:$0x3FB9] =	sst s10  }
0x32: {  	s10 =	sld [smem:$0x3FB7];
	_ =	sdelay $0x3  }
0x33: {  	p0 =	seq.s32 s10, $0x1;
	s10 =	sld [smem:$0x3FB9];
	_ =	sdelay $0x3  }
0x34: {  	[smem:$0x3FB9] =	sst s10  }
0x35: {  	s10 =	sld [smem:$0x3FB8];
	_ =	sdelay $0x3  }
0x36: {  	p1 =	seq.s32 s10, $0x1;
	s10 =	sld [smem:$0x3FB9];
	_ =	sdelay $0x3  }
0x37: {  	[smem:$0x3FB9] =	sst s10  }
0x38: {  	s10 =	sld [smem:$0x3FBA]  }
0x39: {  	_ = 	snop;
	(pc) =	sbr.ind lr, $3  }
0x3a: {  	_ = 	snop  }
0x3b: {  	_ = 	snop  }
0x3c: {  	p2 =	seq.s32 s10, $0x1;
	s10 =	sld [smem:$0x3FB9]  }
0x3d: {  	_ =	shalt  }
0x3e: {  	_ =	shalt  }
0x3f: {  	_ =	shalt  }
0x40: {  	_ =	shalt  }
0x41: {  	_ =	shalt  }
0x42: {  	_ =	shalt  }
0x43: {  	_ =	shalt  }
0x44: {  	_ =	shalt  }
0x45: {  	_ =	shalt  }
0x46: {  	_ =	shalt  }
0x47: {  	_ =	shalt  }
0x48: {  	_ =	shalt  }
0x49: {  	_ =	shalt  }
0x4a: {  	_ =	shalt  }
0x4b: {  	_ =	shalt  }
0x4c: {  	_ =	shalt  }
0x4d: {  	_ =	shalt  }
0x4e: {  	_ =	shalt  }
0x4f: {  	_ =	shalt  }
0x50: {  	_ =	shalt  }
0x51: {  	_ =	shalt  }
0x52: {  	_ =	shalt  }
0x53: {  	_ =	shalt  }
0x54: {  	_ =	shalt  }
0x55: {  	_ =	shalt  }
0x56: {  	_ =	shalt  }
0x57: {  	_ =	shalt  }
0x58: {  	_ =	shalt  }
0x59: {  	_ =	shalt  }
0x5a: {  	_ =	shalt  }
0x5b: {  	_ =	shalt  }
0x5c: {  	_ =	shalt  }
0x5d: {  	_ =	shalt  }
0x5e: {  	_ =	shalt  }
0x5f: {  	_ =	shalt  }
0x60: {  	_ =	shalt  }
0x61: {  	_ =	shalt  }
0x62: {  	_ =	shalt  }
0x63: {  	_ =	shalt  }
0x64: {  	_ =	shalt  }
0x65: {  	_ =	shalt  }
0x66: {  	_ =	shalt  }
0x67: {  	_ =	shalt  }
0x68: {  	_ =	shalt  }
0x69: {  	_ =	shalt  }
0x6a: {  	_ =	shalt  }
0x6b: {  	_ =	shalt  }
0x6c: {  	_ =	shalt  }
0x6d: {  	_ =	shalt  }
0x6e: {  	_ =	shalt  }
0x6f: {  	_ =	shalt  }
0x70: {  	_ =	shalt  }
0x71: {  	_ =	shalt  }
0x72: {  	_ =	shalt  }
0x73: {  	_ =	shalt  }
0x74: {  	_ =	shalt  }
0x75: {  	_ =	shalt  }
0x76: {  	_ =	shalt  }
0x77: {  	_ =	shalt  }
0x78: {  	_ =	shalt  }
0x79: {  	_ =	shalt  }
0x7a: {  	_ =	shalt  }
0x7b: {  	_ =	shalt  }
0x7c: {  	_ =	shalt  }
0x7d: {  	_ =	shalt  }
0x7e: {  	_ =	shalt  }
0x7f: {  	_ =	shalt  }
0x80: {  	_ =	shalt  }
0x81: {  	_ =	shalt  }
0x82: {  	_ =	shalt  }
0x83: {  	_ =	shalt  }
0x84: {  	_ =	shalt  }
0x85: {  	_ =	shalt  }
0x86: {  	_ =	shalt  }
0x87: {  	_ =	shalt  }
.Lfunc_end0:
.L_simem_size_0:
called_computation_lowered:
.L_overlay_start_0:
0x88: {  	s2 =	sld [smem:$0x3FD9]  }
0x89: {  	s3 =	sld [smem:$0x3FFE];
	_ =	sdelay $0x1  }
0x8a: {  	s1 =	srdreg.scid  }
0x8b: {  	s0 =	sand.u32 $0x1, s1  }
0x8c: {  	s17 =	sshll.u32 s0, $0xA;
	s2 =	sadd.s32 s3, s2  }
0x8d: {  	s2 =	sadd.s32 s2, s17  }
0x8e: {  	[smem:$0x3FC5] =	sst s2  }
0x8f: {  	_ = 	snop  }
0x90: {  	s2 =	sld [smem:$0x3FD0];
	(tm) =	ssettm $0x1  }
0x91: {  	s18 =	sld [smem:$0x3FFB];
	_ =	sdelay $0x3  }
0x92: {  	_ =	strace s18  }
0x93: {  	s3 =	sld [smem:$0x3FFC];
	_ =	sdelay $0x3  }
0x94: {  	_ =	strace s3  }
0x95: {  	s3 =	sld [smem:$0x3FFD];
	_ =	sdelay $0x3  }
0x96: {  	_ =	strace s3  }
0x97: {  	_ =	strace $0x8FFFFFFF  }
0x98: {  	s19 =	sld [smem:$0x3FDB];
	_ =	sdelay $0x1  }
0x99: {  	s4 =	simm.s32 $_scs_section_size  }
0x9a: {  	s5 =	simm.s32 $_size__tile_overlayer_lowered;
	s6 =	simm.s32 $_tile_overlayer_lowered  }
0x9b: {  	s22 =	simm.s32 $0x1BFF;
	s21 =	sshll.u32 s6, $0x1;
	s3 =	sadd.s32 s4, s19  }
0x9c: {  	s7 =	simm.s32 $0x0;
	s20 =	sshll.u32 s5, $0x1;
	s5 =	sadd.s32 s21, s3  }
0x9d: {  	[timem:s7], [sflag:s22] =	dma.local [hbm:s5], s20  }
0x9e: {  	_ =	swait.ge [sflag:s22], s20  }
0x9f: {  	s4 =	ssub.s32 $0x0, s20;
	[sflag:s22] =	ssyncset.done $0x0  }
0xa0: {  	[sflag:s22] =	ssyncadd.s32 s4;
	_ =	sdelay $0x1  }
0xa1: {  	s23 =	simm.s32 $0x1B8B  }
0xa2: {  	_ =	swait.ge [sflag:s23], $0x1  }
0xa3: {  	[sflag:s23] =	ssyncset.done $0x0  }
0xa4: {  	s25 =	simm.s32 $0x1B8E;
	s24 =	sld [smem:$0x3FFE];
	[sflag:s23] =	ssyncadd.s32 $0xFFFFFFFF  }
0xa5: {  	s26 =	simm.s32 $execute0_lowered;
	[smem:$0x3FD2] =	sst s25  }
0xa6: {  	s5 =	sshll.u32 s26, $0x1;
	_ =	strace $0x80000046;
	[dreg:$0x1] =	wrdreg $0xFFFFFFFF  }
0xa7: {  	s28 =	simm.s32 $_size_execute0_lowered;
	s3 =	sadd.s32 s3, s5;
	[dreg:$0x0] =	wrdreg $0x0  }
0xa8: {  	s5 =	sshll.u32 s28, $0x1;
	[dreg:$0x2] =	wrdreg s3  }
0xa9: {  	[dreg:$0x3] =	wrdreg s5  }
0xaa: {  	[dreg:$0x4] =	wrdreg $0xC0  }
0xab: {  	_ =	task [dreg:s7], $0x5FFFF  }
0xac: {  	[dreg:$0x1] =	wrdreg $0xFFFFFFFF  }
0xad: {  	[dreg:$0x0] =	wrdreg $0x60  }
0xae: {  	[dreg:$0x2] =	wrdreg s24  }
0xaf: {  	[dreg:$0x3] =	wrdreg s2  }
0xb0: {  	[dreg:$0x4] =	wrdreg $0x9  }
0xb1: {  	_ =	task.clear_ibuf [dreg:s7], $0x5FFFF;
	_ =	strace $0x90000046  }
0xb2: {  	s29 =	simm.s32 $0x9;
	_ =	strace $0x80000048  }
0xb3: {  	_ =	swait.ge [sflag:s29], $0x1  }
0xb4: {  	[sflag:s29] =	ssyncadd.s32 $0xFFFFFFFF  }
0xb5: {  	_ =	strace $0x90000048  }
0xb6: {  	_ =	sfence  }
0xb7: {  	s30 =	sld [smem:$0x0];
	_ =	sdelay $0x2  }
0xb8: {  	s31 =	sshll.u32 s1, $0xD;
	s1 =	sshrl.u32 s1, $0x2  }
0xb9: {  	s3 =	sand.u32 $0x4000, s31;
	s1 =	sadd.s32 s1, s30  }
0xba: {  	s0 =	sor.u32 s3, s0;
	s1 =	sshll.u32 s1, $0x11  }
0xbb: {  	s0 =	sor.u32 s1, s0  }
0xbc: {  	s0 =	sadd.s32 $0x8F2B, s0  }
0xbd: {  	[sflag:s0] =	ssyncadd.remote.s32 $0x1  }
0xbe: {  	_ =	sfence.sel $0xFFFF  }
0xbf: {  	[dreg:$0x0] =	wrdreg $0xFFFFFFFF;
	(pc) =	sbr.abs _section_cstart, $3  }
0xc0: {  	[dreg:$0x1] =	wrdreg $0xFFFFFFFF  }
0xc1: {  	_ =	task.clear_ibuf [dreg:s7], $0x2FFFF;
	_ =	strace $0x9FFFFFFF  }
0xc2: {  	(tm) =	ssettm $0x7FFFFFFF  }
0xc3: {  	_ =	shalt  }
tec
execute0_lowered:
.L_overlay_start_1:
0x0: {  	(tag) =	ssettag $0x1  }
0x1: {  	s1 =	stileid.u32  }
0x2: {  	p0 =	sgt.u32 s1, $0x3  }
.Ltmp0:
0x3: {  	_ = 	snop;
	(pc) =	sbr.rel @p0 .LBB2_4-.Ltmp0, $4  }
0x4: {  	s10 =	rddreg [dreg:$0x0]  }
0x5: {  	s14 =	rddreg [dreg:$0x1];
	s2 =	simm.s32 $0x0  }
0x6: {  	[smem:$0x7FF] =	sst s2  }
0x7: {  	s0 =	rddreg [dreg:$0x2];
	_ =	strace $0x80000047  }
0x8: {  	s3 =	srdreg.scid  }
0x9: {  	s15 =	sand.u32 $0x1, s3  }
0xa: {  	s30 =	sshll.u32 s1, $0x2;
	s4 =	sshll.u32 s15, $0x1  }
0xb: {  	s16 =	sor.u32 s4, s30  }
0xc: {  	s3 =	simm.s32 $0x3;
	s4 =	sadd.s32 s10, s16  }
0xd: {  	[tilespmem:s2], [sflag:$0x3] =	stream.linear.gather [hbm4b:s4+s2], $0x10, $0x38;
	[tilespmem:$0x280] =	vst v63  }
0xe: {  	_ =	swait.ge [sflag:s3], $0x10  }
0xf: {  	s5 =	sadd.s32 s16, s10;
	[sflag:s3] =	ssyncset.done $0x0  }
0x10: {  	s6 =	simm.s32 $0x180;
	s5 =	sadd.s32 $0x200, s5;
	[sflag:s3] =	ssyncadd.s32 $0xFFFFFFF0  }
0x11: {  	[tilespmem:s6], [sflag:$0x3] =	stream.linear.gather [hbm4b:s5+s2], $0x10, $0x38;
	[tilespmem:$0x280] =	vst v63  }
0x12: {  	_ =	swait.ge [sflag:s3], $0x10  }
0x13: {  	s7 =	sadd.s32 $0x187000, s10;
	[sflag:s3] =	ssyncset.done $0x0  }
0x14: {  	s8 =	simm.s32 $0x10;
	s9 =	simm.s32 $0x80;
	[sflag:s3] =	ssyncadd.s32 $0xFFFFFFF0  }
0x15: {  	[tilespmem:s9], [sflag:$0x1] =	stream.indirect.gather [hbm4b:s7+s8], $0x1, s2, s8, $0xb8;
	[tilespmem:$0x280] =	vst v63  }
0x16: {  	s11 =	simm.s32 $0x100;
	s12 =	simm.s32 $0x1;
	s10 =	sadd.s32 $0x30DA00, s10  }
0x17: {  	[tilespmem:s11], [sflag:$0x2] =	stream.indirect.gather [hbm4b:s10+s8], $0x1, s2, s8, $0xb8;
	[tilespmem:$0x280] =	vst v63  }
0x18: {  	_ =	swait.ge [sflag:s12], $0x10  }
0x19: {  	[sflag:s12] =	ssyncset.done $0x0  }
0x1a: {  	s13 =	simm.s32 $0x2;
	[sflag:s12] =	ssyncadd.s32 $0xFFFFFFF0  }
0x1b: {  	_ =	swait.ge [sflag:s13], $0x10  }
0x1c: {  	[sflag:s13] =	ssyncset.done $0x0  }
0x1d: {  	[sflag:s13] =	ssyncadd.s32 $0xFFFFFFF0  }
0x1e: {  	v0 =	vld [tilespmem:$0x100];
	_ =	sdelay $0x4  }
0x1f: {  	v0 =	vmax.f32 v0, $-4.000000000e+01  }
0x20: {  	v0 =	vmin.f32 v0, $4.000000000e+01  }
0x21: {  	v0 =	vmul.f32 $1.442695020e+00, v0;
	_ =	sdelay $0x1  }
0x22: {  	(erf) = vpow2.f32 v0;
	_ =	sdelay $0x4  }
0x23: {  	v63 =	vld [tilespmem:$0x180];
	_ =	sdelay $0x1  }
0x24: {  	v1 =	vld [tilespmem:$0x80]  }
0x25: {  	s15 =	ssub.s32 $0x2, s15  }
0x26: {  	s17 =	sshrl.u32 s15, $0x1;
	v2 =	vpop (erf)  }
0x27: {  	s15 =	ssub.s32 s15, s17;
	v0 =	vmul.f32 v2, v63  }
0x28: {  	s31 =	smax.u32 s15, $0x1  }
0x29: {  	p0 =	sne.s32 s31, $0x1;
	v0 =	vadd.f32 v0, v1  }
.Ltmp1:
0x2a: {  	_ = 	snop;
	(pc) =	sbr.rel @!p0 .LBB2_3-.Ltmp1, $4  }
0x2b: {  	s14 =	sadd.s32 s14, s16;
	s15 =	simm.s32 $0x200;
	[tilespmem:$0x200] =	vst v0  }
0x2c: {  	[hbm4b:s14+s2] =	stream.linear.scatter [tilespmem:s15], [sflag:$0x3], $0x10, $0x38;
	[tilespmem:$0x280] =	vst v63  }
0x2d: {  	_ =	swait.ge [sflag:s3], $0x10  }
0x2e: {  	s16 =	sadd.s32 $0xFFFFFFFF, s31;
	[sflag:s3] =	ssyncset.done $0x0  }
.LBB2_2:
0x2f: {  	p0 =	sne.s32 s16, $0x1;
	s16 =	sadd.s32 $0xFFFFFFFF, s16;
	[sflag:s3] =	ssyncadd.s32 $0xFFFFFFF0  }
0x30: {  	[tilespmem:s2], [sflag:$0x3] =	stream.linear.gather [hbm4b:s4+s2], $0x10, $0x38;
	[tilespmem:$0x280] =	vst v63  }
0x31: {  	_ =	swait.ge [sflag:s3], $0x10  }
0x32: {  	[sflag:s3] =	ssyncset.done $0x0  }
0x33: {  	[sflag:s3] =	ssyncadd.s32 $0xFFFFFFF0  }
0x34: {  	[tilespmem:s6], [sflag:$0x3] =	stream.linear.gather [hbm4b:s5+s2], $0x10, $0x38;
	[tilespmem:$0x280] =	vst v63  }
0x35: {  	_ =	swait.ge [sflag:s3], $0x10  }
0x36: {  	[sflag:s3] =	ssyncset.done $0x0  }
0x37: {  	[sflag:s3] =	ssyncadd.s32 $0xFFFFFFF0  }
0x38: {  	[tilespmem:s9], [sflag:$0x1] =	stream.indirect.gather [hbm4b:s7+s8], $0x1, s2, s8, $0xb8;
	[tilespmem:$0x280] =	vst v63  }
0x39: {  	_ = 	snop  }
0x3a: {  	[tilespmem:s11], [sflag:$0x2] =	stream.indirect.gather [hbm4b:s10+s8], $0x1, s2, s8, $0xb8;
	[tilespmem:$0x280] =	vst v63  }
0x3b: {  	_ =	swait.ge [sflag:s12], $0x10  }
0x3c: {  	[sflag:s12] =	ssyncset.done $0x0  }
0x3d: {  	[sflag:s12] =	ssyncadd.s32 $0xFFFFFFF0  }
0x3e: {  	_ =	swait.ge [sflag:s13], $0x10  }
0x3f: {  	[sflag:s13] =	ssyncset.done $0x0  }
0x40: {  	[sflag:s13] =	ssyncadd.s32 $0xFFFFFFF0  }
0x41: {  	v0 =	vld [tilespmem:$0x100];
	_ =	sdelay $0x4  }
0x42: {  	v0 =	vmax.f32 v0, $-4.000000000e+01  }
0x43: {  	v0 =	vmin.f32 v0, $4.000000000e+01  }
0x44: {  	v0 =	vmul.f32 $1.442695020e+00, v0;
	_ =	sdelay $0x1  }
0x45: {  	(erf) = vpow2.f32 v0;
	_ =	sdelay $0x4  }
0x46: {  	v0 =	vld [tilespmem:$0x180];
	_ =	sdelay $0x1  }
0x47: {  	v1 =	vld [tilespmem:$0x80];
	_ =	sdelay $0x1  }
0x48: {  	v2 =	vpop (erf)  }
0x49: {  	v0 =	vmul.f32 v2, v0;
	_ =	sdelay $0x1  }
0x4a: {  	v0 =	vadd.f32 v0, v1  }
.Ltmp2:
0x4b: {  	(pc) =	sbr.rel @p0 .LBB2_2-.Ltmp2, $4  }
0x4c: {  	[tilespmem:$0x200] =	vst v0  }
0x4d: {  	[hbm4b:s14+s2] =	stream.linear.scatter [tilespmem:s15], [sflag:$0x3], $0x10, $0x38;
	[tilespmem:$0x280] =	vst v63  }
0x4e: {  	_ =	swait.ge [sflag:s3], $0x10  }
0x4f: {  	[sflag:s3] =	ssyncset.done $0x0  }
.LBB2_3:
0x50: {  	[sflag:s3] =	ssyncadd.s32 $0xFFFFFFF0  }
.LBB2_4:
0x51: {  	_ =	sfence.sel $0x180000  }
0x52: {  	[bflag:$0x0] =	sbarrier.arrive $0xFFFF  }
0x53: {  	p0 =	sne.s32 s1, $0x0;
	_ =	strace $0x90000047  }
0x54: {  	s0 =	sadd.s32 @!p0 $0x100000, s0;
	[bflag:$0x2] =	sbarrier.arrive $0xFFFF  }
0x55: {  	[sflag:s0] =	ssyncadd.tile.s32 @!p0 $0x1;
	_ =	shalt  }
.Lfunc_end2:
_tile_overlayer_lowered:
.L_overlay_start_2:
0x56: {  	(tag) =	ssettag $0x2  }
0x57: {  	s0 =	rddreg [dreg:$0x0];
	s2 =	stileid.u32  }
0x58: {  	s1 =	rddreg [dreg:$0x1];
	p0 =	sne.s32 s2, $0x0  }
0x59: {  	s3 =	rddreg [dreg:$0x2];
	[bflag:$0x3] =	sbarrier.arrive $0xFFFF;
	s2 =	simm.s32 @!p0 $0x1C03  }
0x5a: {  	[timem:s3], [sflag:s2] =	dma.local @!p0 [hbm:s0], s1  }
0x5b: {  	s0 =	simm.s32 @!p0 $0x3  }
0x5c: {  	_ =	swait.ge @!p0 [sflag:s0], s1  }
0x5d: {  	s1 =	ssub.s32 @!p0 $0x0, s1;
	[sflag:s0] =	ssyncset.done @!p0 $0x0  }
0x5e: {  	[sflag:s0] =	ssyncadd.s32 @!p0 s1  }
0x5f: {  	[bflag:$0x3] =	sbarrier.arrive $0xFFFF  }
0x60: {  	_ =	shalt  }

</sc_bundles>
